<compile_context>
chip_gen: v7x
topology: tpu7x:2x2x1
jax: 0.10.2.dev20260603
libtpu: 0.0.44.dev20260713+nightly
codegen_flags: <defaults>
</compile_context>

<pallas_src>
import functools

import jax
import jax.numpy as jnp
from jax import lax
from jax.experimental import pallas as pl
from jax.experimental.pallas import tpu as pltpu
from jax.experimental.pallas import tpu_sc as plsc

NC = 2
NS = 16
NW = NC * NS
CHUNK = 40
D = 300
DB = 512
DP = 256


def _pack(padded):
    lo = lax.bitcast_convert_type(padded[:, :DP], jnp.uint16)
    hi = lax.bitcast_convert_type(padded[:, DP:], jnp.uint16)
    word = lo.astype(jnp.uint32) | (hi.astype(jnp.uint32) << 16)
    return lax.bitcast_convert_type(word, jnp.float32)


def _pad_body(xt_ref, o_ref):
    xt = xt_ref[...].astype(jnp.bfloat16)
    rows = xt.shape[1]
    padded = jnp.concatenate(
        [xt.T, jnp.zeros((rows, DB - D), jnp.bfloat16)], axis=1)
    o_ref[...] = _pack(padded)


def _pad_table(tbl_t, rows_per_blk=2048):
    V = tbl_t.shape[1]
    return pl.pallas_call(
        _pad_body,
        grid=(pl.cdiv(V, rows_per_blk),),
        in_specs=[pl.BlockSpec((D, rows_per_blk), lambda i: (0, i))],
        out_specs=pl.BlockSpec((rows_per_blk, DP), lambda i: (i, 0)),
        out_shape=jax.ShapeDtypeStruct((V, DP), jnp.float32),
    )(tbl_t)


def _make_gather(B, n_parts):
    per_w = B // NW
    n_chunks = per_w // CHUNK
    mesh = plsc.VectorSubcoreMesh(core_axis_name="c", subcore_axis_name="s")

    assert n_chunks % 2 == 0
    idx_scratch = [pltpu.VMEM((per_w,), jnp.int32)] * n_parts
    buf_scratch = [pltpu.VMEM((2, CHUNK, DP), jnp.float32)] * n_parts
    sem_scratch = [pltpu.SemaphoreType.DMA((2,))] * n_parts

    @functools.partial(
        pl.kernel,
        out_type=jax.ShapeDtypeStruct((n_parts, B, DP), jnp.float32),
        mesh=mesh,
        scratch_types=idx_scratch + buf_scratch + sem_scratch,
    )
    def gather_k(*args):
        idx_hbm = args[:n_parts]
        tbl_hbm = args[n_parts]
        out_hbm = args[n_parts + 1]
        idx_v = args[n_parts + 2:2 * n_parts + 2]
        bufs = args[2 * n_parts + 2:3 * n_parts + 2]
        sems = args[3 * n_parts + 2:]
        wid = lax.axis_index("s") * NC + lax.axis_index("c")
        base = wid * per_w
        for j in range(n_parts):
            pltpu.sync_copy(idx_hbm[j].at[pl.ds(base, per_w)], idx_v[j])

        def start(c, p):
            cs = pl.ds(c * CHUNK, CHUNK)
            for j in range(n_parts):
                pltpu.async_copy(tbl_hbm.at[idx_v[j].at[cs]], bufs[j].at[p],
                                 sems[j].at[p])

        def finish(c, p):
            off = base + c * CHUNK
            for j in range(n_parts):
                pltpu.make_async_copy(tbl_hbm.at[idx_v[j].at[pl.ds(0, CHUNK)]],
                                      bufs[j].at[p], sems[j].at[p]).wait()
                pltpu.sync_copy(bufs[j].at[p], out_hbm.at[j, pl.ds(off, CHUNK)])

        start(0, 0)

        def body(i, carry):
            c0 = 2 * i
            start(c0 + 1, 1)
            finish(c0, 0)

            @pl.when(i < n_chunks // 2 - 1)
            def _():
                start(c0 + 2, 0)

            finish(c0 + 1, 1)
            return carry

        lax.fori_loop(0, n_chunks // 2, body, 0)

    return gather_k


def _unpack(x):
    word = lax.bitcast_convert_type(x, jnp.uint32)
    lo = lax.bitcast_convert_type(word.astype(jnp.uint16), jnp.bfloat16)
    hi = lax.bitcast_convert_type((word >> 16).astype(jnp.uint16),
                                  jnp.bfloat16)
    return lo, hi


def _mm_body(xet_ref, xr_ref, w_ref, b_ref, o_ref):
    w = w_ref[...]
    dn = (((1,), (1,)), ((), ()))
    acc = None
    for j, x in ((0, xet_ref[0]), (1, xr_ref[0]), (2, xet_ref[1])):
        lo, hi = _unpack(x)
        d = lax.dot_general(w[:, j * DB:j * DB + DP], lo, dn,
                            preferred_element_type=jnp.float32)
        d += lax.dot_general(w[:, j * DB + DP:(j + 1) * DB], hi, dn,
                             preferred_element_type=jnp.float32)
        acc = d if acc is None else acc + d
    acc += b_ref[...]
    o_ref[...] = acc.reshape(1, 3 * D, 8, 128)


def _matmul(g_et, g_r, W_pad, b_mlp, n_triples, batch, interpret=False):
    grid = (n_triples,)
    return pl.pallas_call(
        _mm_body,
        grid=grid,
        in_specs=[
            pl.BlockSpec((2, batch, DP), lambda i: (0, i, 0)),
            pl.BlockSpec((1, batch, DP), lambda i: (0, i, 0)),
            pl.BlockSpec((3 * D, 3 * DB), lambda i: (0, 0)),
            pl.BlockSpec((3 * D, 1), lambda i: (0, 0)),
        ],
        out_specs=pl.BlockSpec((1, 3 * D, 8, 128), lambda i: (i, 0, 0, 0)),
        out_shape=jax.ShapeDtypeStruct(
            (n_triples, 3 * D, batch // 128, 128), jnp.float32),
        interpret=interpret,
    )(g_et, g_r, W_pad, b_mlp.reshape(3 * D, 1))


def kernel(kg_enc_input, entity_embedding, rel_embedding, W_mlp, b_mlp):
    batch, n_turns, n_triples, _ = kg_enc_input.shape
    B = batch * n_turns * n_triples
    idx_t = kg_enc_input.reshape(batch, n_turns * n_triples, 3)
    idx_t = idx_t.transpose(1, 2, 0)
    head = idx_t[:, 0, :].reshape(B)
    rel = idx_t[:, 1, :].reshape(B)
    tail = idx_t[:, 2, :].reshape(B)
    ent_pad = _pad_table(entity_embedding.T)
    rtab_pad = _pad_table(rel_embedding.T)
    W_pad = jnp.pad(W_mlp.reshape(3 * D, 3, D), ((0, 0), (0, 0), (0, DB - D)))
    W_pad = W_pad.reshape(3 * D, 3 * DB).astype(jnp.bfloat16)
    g_et = _make_gather(B, 2)(head, tail, ent_pad)
    g_r = _make_gather(B, 1)(rel, rtab_pad)
    out = _matmul(g_et, g_r, W_pad, b_mlp, n_turns * n_triples, batch)
    out = out.transpose(2, 3, 0, 1).reshape(batch, n_turns, n_triples, 3 * D)
    return out

# --- scband reference (transcript-rebuilt; emitter-appended) ---
"""Pipeline reference for scband-attention-10230612099237 (READ-ONLY COPY).

The authoritative reference and input builder live on the scoring server;
editing this copy changes nothing except your own understanding.
"""

import jax, jax.numpy as jnp
import numpy as np

ENTITY_VOCAB = 100000
RELATION_VOCAB = 100000
T_EMBED = 300
BATCH = 1024
N_TURNS = 1
N_TRIPLES = 50


def setup_inputs(seed: int = 0) -> dict:
    key = jax.random.key(seed)
    k1, k2, k3, k4 = jax.random.split(key, 4)
    kg_enc_input = jax.random.randint(
        k1, (BATCH, N_TURNS, N_TRIPLES, 3), 0, ENTITY_VOCAB, dtype=jnp.int32
    )
    entity_embedding = jax.random.normal(k2, (ENTITY_VOCAB, T_EMBED), dtype=jnp.float32) * 0.02
    rel_embedding = jax.random.normal(k3, (RELATION_VOCAB, T_EMBED), dtype=jnp.float32) * 0.02
    # MLP: Linear(3*t_embed, 3*t_embed); torch convention W [out, in]
    W_mlp = jax.random.normal(k4, (3 * T_EMBED, 3 * T_EMBED), dtype=jnp.float32) * (1.0 / np.sqrt(3 * T_EMBED))
    b_mlp = jnp.zeros((3 * T_EMBED,), dtype=jnp.float32)
    return {
        "kg_enc_input": kg_enc_input,
        "entity_embedding": entity_embedding,
        "rel_embedding": rel_embedding,
        "W_mlp": W_mlp,
        "b_mlp": b_mlp,
    }


def reference(kg_enc_input, entity_embedding, rel_embedding, W_mlp, b_mlp):
    # torch.split(kg_enc_input, 1, 3) -> head, rel, tail; then squeeze(-1)
    head = kg_enc_input[..., 0]
    rel = kg_enc_input[..., 1]
    tail = kg_enc_input[..., 2]
    head_emb = jnp.take(entity_embedding, head, axis=0)
    rel_emb = jnp.take(rel_embedding, rel, axis=0)
    tail_emb = jnp.take(entity_embedding, tail, axis=0)
    triple = jnp.concatenate([head_emb, rel_emb, tail_emb], axis=3)
    triple_emb = triple @ W_mlp.T + b_mlp
    return triple_emb

if __name__ == "__main__":
    import jax
    _d = setup_inputs()
    print(jax.jit(kernel)(*tuple(_d.values())))

</pallas_src>

<mosaic_0001>
#map = affine_map<(d0, d1) -> (0)>
#map1 = affine_map<(d0, d1) -> (0, 0)>
#map2 = affine_map<(d0, d1) -> (0, 0, 0)>
module attributes {stable_mosaic.version = 14 : i64} {
  func.func @gather_k(%arg0: i32, %arg1: i32, %arg2: memref<51200xi32, #tpu.memory_space<hbm>>, %arg3: memref<100000x256xf32, #tpu.memory_space<hbm>>, %arg4: memref<1x51200x256xf32, #tpu.memory_space<hbm>>, %arg5: memref<1600xi32, #tpu.memory_space<vmem>>, %arg6: memref<2x40x256xf32, #tpu.memory_space<vmem>>, %arg7: memref<2x!tpu.dma_semaphore, #tpu.memory_space<semaphore_mem>>) attributes {dimension_semantics = [#tpu.dimension_semantics<core_parallel>, #tpu.dimension_semantics<subcore_parallel>], iteration_bounds = array<i64: 2, 16>, scalar_prefetch = 0 : i64, scratch_operands = 3 : i64, tpu.core_type = #tpu.core_type<sc_vector_subcore>, window_params = [{transform_indices = #map}, {transform_indices = #map1}, {transform_indices = #map2}]} {
    %mul3A = arith.constant 2 : i32
    %mul3A_0 = arith.muli %arg1, %mul3A : i32
    %add3A = arith.addi %mul3A_0, %arg0 : i32
    %mul3A_1 = arith.constant 1600 : i32
    %mul3A_2 = arith.muli %add3A, %mul3A_1 : i32
    "tpu.region"() ({
      %run_scoped3A = tpu.sem_alloc : memref<!tpu.dma_semaphore, #tpu.memory_space<semaphore_mem>>
      %dma_start3A_20 = tpu.memref_slice %arg2[%mul3A_2] : memref<51200xi32, #tpu.memory_space<hbm>> -> memref<1600xi32, #tpu.memory_space<hbm>>
      %dma_start3A_21 = tpu.memref_slice %arg2[%mul3A_2] : memref<51200xi32, #tpu.memory_space<hbm>> -> memref<1600xi32, #tpu.memory_space<hbm>>
      tpu.enqueue_dma source(%dma_start3A_21 : memref<1600xi32, #tpu.memory_space<hbm>>) target(%arg5 : memref<1600xi32, #tpu.memory_space<vmem>>) target_semaphore(%run_scoped3A : memref<!tpu.dma_semaphore, #tpu.memory_space<semaphore_mem>>)
      %dma_wait3A = tpu.memref_slice %arg2[%mul3A_2] : memref<51200xi32, #tpu.memory_space<hbm>> -> memref<1600xi32, #tpu.memory_space<hbm>>
      %dma_wait3A_22 = tpu.memref_slice %arg2[%mul3A_2] : memref<51200xi32, #tpu.memory_space<hbm>> -> memref<1600xi32, #tpu.memory_space<hbm>>
      tpu.wait_dma2 semaphore(%run_scoped3A : memref<!tpu.dma_semaphore, #tpu.memory_space<semaphore_mem>>) src(%dma_wait3A_22 : memref<1600xi32, #tpu.memory_space<hbm>>) dst(%arg5 : memref<1600xi32, #tpu.memory_space<vmem>>)
      tpu.yield
    }) : () -> ()
    %dma_start3A = arith.constant 0 : i32
    %dma_start3A_3 = arith.constant 0 : i32
    %dma_start3A_4 = arith.constant 0 : i32
    %dma_start3A_5 = arith.constant 0 : i32
    %dma_start3A_6 = tpu.memref_slice %arg6[%dma_start3A, %dma_start3A_4, %dma_start3A_5] : memref<2x40x256xf32, #tpu.memory_space<vmem>> -> memref<1x40x256xf32, #tpu.memory_space<vmem>>
    %dma_start3A_7 = tpu.memref_squeeze %dma_start3A_6 : memref<1x40x256xf32, #tpu.memory_space<vmem>> -> memref<40x256xf32, #tpu.memory_space<vmem>>
    %dma_start3A_8 = arith.constant 0 : i32
    %dma_start3A_9 = tpu.memref_slice %arg5[%dma_start3A_8] : memref<1600xi32, #tpu.memory_space<vmem>> -> memref<40xi32, #tpu.memory_space<vmem>>
    %dma_start3A_10 = arith.constant 0 : i32
    %dma_start3A_11 = arith.constant 0 : i32
    %dma_start3A_12 = tpu.memref_slice %arg3[%dma_start3A_10, %dma_start3A_11] : memref<100000x256xf32, #tpu.memory_space<hbm>> -> memref<100000x256xf32, #tpu.memory_space<hbm>>
    %dma_start3A_13 = tpu.memref_slice %arg7[%dma_start3A_3] : memref<2x!tpu.dma_semaphore, #tpu.memory_space<semaphore_mem>> -> memref<1x!tpu.dma_semaphore, #tpu.memory_space<semaphore_mem>>
    %dma_start3A_14 = tpu.memref_squeeze %dma_start3A_13 : memref<1x!tpu.dma_semaphore, #tpu.memory_space<semaphore_mem>> -> memref<!tpu.dma_semaphore, #tpu.memory_space<semaphore_mem>>
    tpu.enqueue_indirect_dma source(%dma_start3A_12 : memref<100000x256xf32, #tpu.memory_space<hbm>>) target(%dma_start3A_7 : memref<40x256xf32, #tpu.memory_space<vmem>>) offsets(%dma_start3A_9 : memref<40xi32, #tpu.memory_space<vmem>>) semaphore(%dma_start3A_14 : memref<!tpu.dma_semaphore, #tpu.memory_space<semaphore_mem>>)
    %scan3A = arith.constant 0 : i32
    %scan3A_15 = arith.constant 0 : i32
    %scan3A_16 = arith.constant 20 : i32
    %scan3A_17 = arith.addi %scan3A_15, %scan3A_16 : i32
    %scan3A_18 = arith.constant 1 : i32
    scf.for %scan3A_20 = %scan3A_15 to %scan3A_17 step %scan3A_18  : i32 {
      %mul3A_21 = arith.constant 2 : i32
      %mul3A_22 = arith.muli %mul3A_21, %scan3A_20 : i32
      %add3A_23 = arith.constant 1 : i32
      %add3A_24 = arith.addi %mul3A_22, %add3A_23 : i32
      %mul3A_25 = arith.constant 40 : i32
      %mul3A_26 = arith.muli %add3A_24, %mul3A_25 : i32
      %dma_start3A_27 = arith.constant 1 : i32
      %dma_start3A_28 = arith.constant 1 : i32
      %dma_start3A_29 = arith.constant 0 : i32
      %dma_start3A_30 = arith.constant 0 : i32
      %dma_start3A_31 = tpu.memref_slice %arg6[%dma_start3A_27, %dma_start3A_29, %dma_start3A_30] : memref<2x40x256xf32, #tpu.memory_space<vmem>> -> memref<1x40x256xf32, #tpu.memory_space<vmem>>
      %dma_start3A_32 = tpu.memref_squeeze %dma_start3A_31 : memref<1x40x256xf32, #tpu.memory_space<vmem>> -> memref<40x256xf32, #tpu.memory_space<vmem>>
      %dma_start3A_33 = tpu.memref_slice %arg5[%mul3A_26] : memref<1600xi32, #tpu.memory_space<vmem>> -> memref<40xi32, #tpu.memory_space<vmem>>
      %dma_start3A_34 = arith.constant 0 : i32
      %dma_start3A_35 = arith.constant 0 : i32
      %dma_start3A_36 = tpu.memref_slice %arg3[%dma_start3A_34, %dma_start3A_35] : memref<100000x256xf32, #tpu.memory_space<hbm>> -> memref<100000x256xf32, #tpu.memory_space<hbm>>
      %dma_start3A_37 = tpu.memref_slice %arg7[%dma_start3A_28] : memref<2x!tpu.dma_semaphore, #tpu.memory_space<semaphore_mem>> -> memref<1x!tpu.dma_semaphore, #tpu.memory_space<semaphore_mem>>
      %dma_start3A_38 = tpu.memref_squeeze %dma_start3A_37 : memref<1x!tpu.dma_semaphore, #tpu.memory_space<semaphore_mem>> -> memref<!tpu.dma_semaphore, #tpu.memory_space<semaphore_mem>>
      tpu.enqueue_indirect_dma source(%dma_start3A_36 : memref<100000x256xf32, #tpu.memory_space<hbm>>) target(%dma_start3A_32 : memref<40x256xf32, #tpu.memory_space<vmem>>) offsets(%dma_start3A_33 : memref<40xi32, #tpu.memory_space<vmem>>) semaphore(%dma_start3A_38 : memref<!tpu.dma_semaphore, #tpu.memory_space<semaphore_mem>>)
      %mul3A_39 = arith.constant 40 : i32
      %mul3A_40 = arith.muli %mul3A_22, %mul3A_39 : i32
      %add3A_41 = arith.addi %mul3A_2, %mul3A_40 : i32
      %dma_wait3A = arith.constant 0 : i32
      %dma_wait3A_42 = arith.constant 0 : i32
      %dma_wait3A_43 = arith.constant 0 : i32
      %dma_wait3A_44 = arith.constant 0 : i32
      %dma_wait3A_45 = tpu.memref_slice %arg6[%dma_wait3A, %dma_wait3A_43, %dma_wait3A_44] : memref<2x40x256xf32, #tpu.memory_space<vmem>> -> memref<1x40x256xf32, #tpu.memory_space<vmem>>
      %dma_wait3A_46 = tpu.memref_squeeze %dma_wait3A_45 : memref<1x40x256xf32, #tpu.memory_space<vmem>> -> memref<40x256xf32, #tpu.memory_space<vmem>>
      %dma_wait3A_47 = arith.constant 0 : i32
      %dma_wait3A_48 = tpu.memref_slice %arg5[%dma_wait3A_47] : memref<1600xi32, #tpu.memory_space<vmem>> -> memref<40xi32, #tpu.memory_space<vmem>>
      %dma_wait3A_49 = arith.constant 0 : i32
      %dma_wait3A_50 = arith.constant 0 : i32
      %dma_wait3A_51 = tpu.memref_slice %arg3[%dma_wait3A_49, %dma_wait3A_50] : memref<100000x256xf32, #tpu.memory_space<hbm>> -> memref<100000x256xf32, #tpu.memory_space<hbm>>
      %dma_wait3A_52 = tpu.memref_slice %arg7[%dma_wait3A_42] : memref<2x!tpu.dma_semaphore, #tpu.memory_space<semaphore_mem>> -> memref<1x!tpu.dma_semaphore, #tpu.memory_space<semaphore_mem>>
      %dma_wait3A_53 = tpu.memref_squeeze %dma_wait3A_52 : memref<1x!tpu.dma_semaphore, #tpu.memory_space<semaphore_mem>> -> memref<!tpu.dma_semaphore, #tpu.memory_space<semaphore_mem>>
      tpu.wait_indirect_dma semaphore(%dma_wait3A_53 : memref<!tpu.dma_semaphore, #tpu.memory_space<semaphore_mem>>) src(%dma_wait3A_51 : memref<100000x256xf32, #tpu.memory_space<hbm>>) dst(%dma_wait3A_46 : memref<40x256xf32, #tpu.memory_space<vmem>>)
      %run_scoped3A = arith.constant 0 : i32
      %run_scoped3A_54 = arith.constant 0 : i32
      "tpu.region"() ({
        %run_scoped3A_77 = tpu.sem_alloc : memref<!tpu.dma_semaphore, #tpu.memory_space<semaphore_mem>>
        %dma_start3A_78 = arith.constant 0 : i32
        %dma_start3A_79 = arith.constant 0 : i32
        %dma_start3A_80 = tpu.memref_slice %arg6[%run_scoped3A, %dma_start3A_78, %dma_start3A_79] : memref<2x40x256xf32, #tpu.memory_space<vmem>> -> memref<1x40x256xf32, #tpu.memory_space<vmem>>
        %dma_start3A_81 = tpu.memref_squeeze %dma_start3A_80 : memref<1x40x256xf32, #tpu.memory_space<vmem>> -> memref<40x256xf32, #tpu.memory_space<vmem>>
        %dma_start3A_82 = arith.constant 0 : i32
        %dma_start3A_83 = tpu.memref_slice %arg4[%run_scoped3A_54, %add3A_41, %dma_start3A_82] : memref<1x51200x256xf32, #tpu.memory_space<hbm>> -> memref<1x40x256xf32, #tpu.memory_space<hbm>>
        %dma_start3A_84 = tpu.memref_squeeze %dma_start3A_83 : memref<1x40x256xf32, #tpu.memory_space<hbm>> -> memref<40x256xf32, #tpu.memory_space<hbm>>
        %dma_start3A_85 = arith.constant 0 : i32
        %dma_start3A_86 = tpu.memref_slice %arg4[%run_scoped3A_54, %add3A_41, %dma_start3A_85] : memref<1x51200x256xf32, #tpu.memory_space<hbm>> -> memref<1x40x256xf32, #tpu.memory_space<hbm>>
        %dma_start3A_87 = tpu.memref_squeeze %dma_start3A_86 : memref<1x40x256xf32, #tpu.memory_space<hbm>> -> memref<40x256xf32, #tpu.memory_space<hbm>>
        %dma_start3A_88 = arith.constant 0 : i32
        %dma_start3A_89 = arith.constant 0 : i32
        %dma_start3A_90 = tpu.memref_slice %arg6[%run_scoped3A, %dma_start3A_88, %dma_start3A_89] : memref<2x40x256xf32, #tpu.memory_space<vmem>> -> memref<1x40x256xf32, #tpu.memory_space<vmem>>
        %dma_start3A_91 = tpu.memref_squeeze %dma_start3A_90 : memref<1x40x256xf32, #tpu.memory_space<vmem>> -> memref<40x256xf32, #tpu.memory_space<vmem>>
        tpu.enqueue_dma source(%dma_start3A_91 : memref<40x256xf32, #tpu.memory_space<vmem>>) target(%dma_start3A_87 : memref<40x256xf32, #tpu.memory_space<hbm>>) target_semaphore(%run_scoped3A_77 : memref<!tpu.dma_semaphore, #tpu.memory_space<semaphore_mem>>)
        %dma_wait3A_92 = arith.constant 0 : i32
        %dma_wait3A_93 = arith.constant 0 : i32
        %dma_wait3A_94 = tpu.memref_slice %arg6[%run_scoped3A, %dma_wait3A_92, %dma_wait3A_93] : memref<2x40x256xf32, #tpu.memory_space<vmem>> -> memref<1x40x256xf32, #tpu.memory_space<vmem>>
        %dma_wait3A_95 = tpu.memref_squeeze %dma_wait3A_94 : memref<1x40x256xf32, #tpu.memory_space<vmem>> -> memref<40x256xf32, #tpu.memory_space<vmem>>
        %dma_wait3A_96 = arith.constant 0 : i32
        %dma_wait3A_97 = tpu.memref_slice %arg4[%run_scoped3A_54, %add3A_41, %dma_wait3A_96] : memref<1x51200x256xf32, #tpu.memory_space<hbm>> -> memref<1x40x256xf32, #tpu.memory_space<hbm>>
        %dma_wait3A_98 = tpu.memref_squeeze %dma_wait3A_97 : memref<1x40x256xf32, #tpu.memory_space<hbm>> -> memref<40x256xf32, #tpu.memory_space<hbm>>
        %dma_wait3A_99 = arith.constant 0 : i32
        %dma_wait3A_100 = tpu.memref_slice %arg4[%run_scoped3A_54, %add3A_41, %dma_wait3A_99] : memref<1x51200x256xf32, #tpu.memory_space<hbm>> -> memref<1x40x256xf32, #tpu.memory_space<hbm>>
        %dma_wait3A_101 = tpu.memref_squeeze %dma_wait3A_100 : memref<1x40x256xf32, #tpu.memory_space<hbm>> -> memref<40x256xf32, #tpu.memory_space<hbm>>
        %dma_wait3A_102 = arith.constant 0 : i32
        %dma_wait3A_103 = arith.constant 0 : i32
        %dma_wait3A_104 = tpu.memref_slice %arg6[%run_scoped3A, %dma_wait3A_102, %dma_wait3A_103] : memref<2x40x256xf32, #tpu.memory_space<vmem>> -> memref<1x40x256xf32, #tpu.memory_space<vmem>>
        %dma_wait3A_105 = tpu.memref_squeeze %dma_wait3A_104 : memref<1x40x256xf32, #tpu.memory_space<vmem>> -> memref<40x256xf32, #tpu.memory_space<vmem>>
        tpu.wait_dma2 semaphore(%run_scoped3A_77 : memref<!tpu.dma_semaphore, #tpu.memory_space<semaphore_mem>>) src(%dma_wait3A_105 : memref<40x256xf32, #tpu.memory_space<vmem>>) dst(%dma_wait3A_101 : memref<40x256xf32, #tpu.memory_space<hbm>>)
        tpu.yield
      }) : () -> ()
      %lt3A = arith.constant 19 : i32
      %lt3A_55 = arith.cmpi slt, %scan3A_20, %lt3A : i32
      %convert_element_type3A = arith.extui %lt3A_55 : i1 to i32
      %cond3A = arith.constant 0 : i32
      %cond3A_56 = arith.cmpi ne, %convert_element_type3A, %cond3A : i32
      scf.if %cond3A_56 {
        %add3A_77 = arith.constant 2 : i32
        %add3A_78 = arith.addi %mul3A_22, %add3A_77 : i32
        %mul3A_79 = arith.constant 40 : i32
        %mul3A_80 = arith.muli %add3A_78, %mul3A_79 : i32
        %dma_start3A_81 = arith.constant 0 : i32
        %dma_start3A_82 = arith.constant 0 : i32
        %dma_start3A_83 = arith.constant 0 : i32
        %dma_start3A_84 = arith.constant 0 : i32
        %dma_start3A_85 = tpu.memref_slice %arg6[%dma_start3A_81, %dma_start3A_83, %dma_start3A_84] : memref<2x40x256xf32, #tpu.memory_space<vmem>> -> memref<1x40x256xf32, #tpu.memory_space<vmem>>
        %dma_start3A_86 = tpu.memref_squeeze %dma_start3A_85 : memref<1x40x256xf32, #tpu.memory_space<vmem>> -> memref<40x256xf32, #tpu.memory_space<vmem>>
        %dma_start3A_87 = tpu.memref_slice %arg5[%mul3A_80] : memref<1600xi32, #tpu.memory_space<vmem>> -> memref<40xi32, #tpu.memory_space<vmem>>
        %dma_start3A_88 = arith.constant 0 : i32
        %dma_start3A_89 = arith.constant 0 : i32
        %dma_start3A_90 = tpu.memref_slice %arg3[%dma_start3A_88, %dma_start3A_89] : memref<100000x256xf32, #tpu.memory_space<hbm>> -> memref<100000x256xf32, #tpu.memory_space<hbm>>
        %dma_start3A_91 = tpu.memref_slice %arg7[%dma_start3A_82] : memref<2x!tpu.dma_semaphore, #tpu.memory_space<semaphore_mem>> -> memref<1x!tpu.dma_semaphore, #tpu.memory_space<semaphore_mem>>
        %dma_start3A_92 = tpu.memref_squeeze %dma_start3A_91 : memref<1x!tpu.dma_semaphore, #tpu.memory_space<semaphore_mem>> -> memref<!tpu.dma_semaphore, #tpu.memory_space<semaphore_mem>>
        tpu.enqueue_indirect_dma source(%dma_start3A_90 : memref<100000x256xf32, #tpu.memory_space<hbm>>) target(%dma_start3A_86 : memref<40x256xf32, #tpu.memory_space<vmem>>) offsets(%dma_start3A_87 : memref<40xi32, #tpu.memory_space<vmem>>) semaphore(%dma_start3A_92 : memref<!tpu.dma_semaphore, #tpu.memory_space<semaphore_mem>>)
      } else {
      }
      %add3A_57 = arith.constant 1 : i32
      %add3A_58 = arith.addi %mul3A_22, %add3A_57 : i32
      %mul3A_59 = arith.constant 40 : i32
      %mul3A_60 = arith.muli %add3A_58, %mul3A_59 : i32
      %add3A_61 = arith.addi %mul3A_2, %mul3A_60 : i32
      %dma_wait3A_62 = arith.constant 1 : i32
      %dma_wait3A_63 = arith.constant 1 : i32
      %dma_wait3A_64 = arith.constant 0 : i32
      %dma_wait3A_65 = arith.constant 0 : i32
      %dma_wait3A_66 = tpu.memref_slice %arg6[%dma_wait3A_62, %dma_wait3A_64, %dma_wait3A_65] : memref<2x40x256xf32, #tpu.memory_space<vmem>> -> memref<1x40x256xf32, #tpu.memory_space<vmem>>
      %dma_wait3A_67 = tpu.memref_squeeze %dma_wait3A_66 : memref<1x40x256xf32, #tpu.memory_space<vmem>> -> memref<40x256xf32, #tpu.memory_space<vmem>>
      %dma_wait3A_68 = arith.constant 0 : i32
      %dma_wait3A_69 = tpu.memref_slice %arg5[%dma_wait3A_68] : memref<1600xi32, #tpu.memory_space<vmem>> -> memref<40xi32, #tpu.memory_space<vmem>>
      %dma_wait3A_70 = arith.constant 0 : i32
      %dma_wait3A_71 = arith.constant 0 : i32
      %dma_wait3A_72 = tpu.memref_slice %arg3[%dma_wait3A_70, %dma_wait3A_71] : memref<100000x256xf32, #tpu.memory_space<hbm>> -> memref<100000x256xf32, #tpu.memory_space<hbm>>
      %dma_wait3A_73 = tpu.memref_slice %arg7[%dma_wait3A_63] : memref<2x!tpu.dma_semaphore, #tpu.memory_space<semaphore_mem>> -> memref<1x!tpu.dma_semaphore, #tpu.memory_space<semaphore_mem>>
      %dma_wait3A_74 = tpu.memref_squeeze %dma_wait3A_73 : memref<1x!tpu.dma_semaphore, #tpu.memory_space<semaphore_mem>> -> memref<!tpu.dma_semaphore, #tpu.memory_space<semaphore_mem>>
      tpu.wait_indirect_dma semaphore(%dma_wait3A_74 : memref<!tpu.dma_semaphore, #tpu.memory_space<semaphore_mem>>) src(%dma_wait3A_72 : memref<100000x256xf32, #tpu.memory_space<hbm>>) dst(%dma_wait3A_67 : memref<40x256xf32, #tpu.memory_space<vmem>>)
      %run_scoped3A_75 = arith.constant 1 : i32
      %run_scoped3A_76 = arith.constant 0 : i32
      "tpu.region"() ({
        %run_scoped3A_77 = tpu.sem_alloc : memref<!tpu.dma_semaphore, #tpu.memory_space<semaphore_mem>>
        %dma_start3A_78 = arith.constant 0 : i32
        %dma_start3A_79 = arith.constant 0 : i32
        %dma_start3A_80 = tpu.memref_slice %arg6[%run_scoped3A_75, %dma_start3A_78, %dma_start3A_79] : memref<2x40x256xf32, #tpu.memory_space<vmem>> -> memref<1x40x256xf32, #tpu.memory_space<vmem>>
        %dma_start3A_81 = tpu.memref_squeeze %dma_start3A_80 : memref<1x40x256xf32, #tpu.memory_space<vmem>> -> memref<40x256xf32, #tpu.memory_space<vmem>>
        %dma_start3A_82 = arith.constant 0 : i32
        %dma_start3A_83 = tpu.memref_slice %arg4[%run_scoped3A_76, %add3A_61, %dma_start3A_82] : memref<1x51200x256xf32, #tpu.memory_space<hbm>> -> memref<1x40x256xf32, #tpu.memory_space<hbm>>
        %dma_start3A_84 = tpu.memref_squeeze %dma_start3A_83 : memref<1x40x256xf32, #tpu.memory_space<hbm>> -> memref<40x256xf32, #tpu.memory_space<hbm>>
        %dma_start3A_85 = arith.constant 0 : i32
        %dma_start3A_86 = tpu.memref_slice %arg4[%run_scoped3A_76, %add3A_61, %dma_start3A_85] : memref<1x51200x256xf32, #tpu.memory_space<hbm>> -> memref<1x40x256xf32, #tpu.memory_space<hbm>>
        %dma_start3A_87 = tpu.memref_squeeze %dma_start3A_86 : memref<1x40x256xf32, #tpu.memory_space<hbm>> -> memref<40x256xf32, #tpu.memory_space<hbm>>
        %dma_start3A_88 = arith.constant 0 : i32
        %dma_start3A_89 = arith.constant 0 : i32
        %dma_start3A_90 = tpu.memref_slice %arg6[%run_scoped3A_75, %dma_start3A_88, %dma_start3A_89] : memref<2x40x256xf32, #tpu.memory_space<vmem>> -> memref<1x40x256xf32, #tpu.memory_space<vmem>>
        %dma_start3A_91 = tpu.memref_squeeze %dma_start3A_90 : memref<1x40x256xf32, #tpu.memory_space<vmem>> -> memref<40x256xf32, #tpu.memory_space<vmem>>
        tpu.enqueue_dma source(%dma_start3A_91 : memref<40x256xf32, #tpu.memory_space<vmem>>) target(%dma_start3A_87 : memref<40x256xf32, #tpu.memory_space<hbm>>) target_semaphore(%run_scoped3A_77 : memref<!tpu.dma_semaphore, #tpu.memory_space<semaphore_mem>>)
        %dma_wait3A_92 = arith.constant 0 : i32
        %dma_wait3A_93 = arith.constant 0 : i32
        %dma_wait3A_94 = tpu.memref_slice %arg6[%run_scoped3A_75, %dma_wait3A_92, %dma_wait3A_93] : memref<2x40x256xf32, #tpu.memory_space<vmem>> -> memref<1x40x256xf32, #tpu.memory_space<vmem>>
        %dma_wait3A_95 = tpu.memref_squeeze %dma_wait3A_94 : memref<1x40x256xf32, #tpu.memory_space<vmem>> -> memref<40x256xf32, #tpu.memory_space<vmem>>
        %dma_wait3A_96 = arith.constant 0 : i32
        %dma_wait3A_97 = tpu.memref_slice %arg4[%run_scoped3A_76, %add3A_61, %dma_wait3A_96] : memref<1x51200x256xf32, #tpu.memory_space<hbm>> -> memref<1x40x256xf32, #tpu.memory_space<hbm>>
        %dma_wait3A_98 = tpu.memref_squeeze %dma_wait3A_97 : memref<1x40x256xf32, #tpu.memory_space<hbm>> -> memref<40x256xf32, #tpu.memory_space<hbm>>
        %dma_wait3A_99 = arith.constant 0 : i32
        %dma_wait3A_100 = tpu.memref_slice %arg4[%run_scoped3A_76, %add3A_61, %dma_wait3A_99] : memref<1x51200x256xf32, #tpu.memory_space<hbm>> -> memref<1x40x256xf32, #tpu.memory_space<hbm>>
        %dma_wait3A_101 = tpu.memref_squeeze %dma_wait3A_100 : memref<1x40x256xf32, #tpu.memory_space<hbm>> -> memref<40x256xf32, #tpu.memory_space<hbm>>
        %dma_wait3A_102 = arith.constant 0 : i32
        %dma_wait3A_103 = arith.constant 0 : i32
        %dma_wait3A_104 = tpu.memref_slice %arg6[%run_scoped3A_75, %dma_wait3A_102, %dma_wait3A_103] : memref<2x40x256xf32, #tpu.memory_space<vmem>> -> memref<1x40x256xf32, #tpu.memory_space<vmem>>
        %dma_wait3A_105 = tpu.memref_squeeze %dma_wait3A_104 : memref<1x40x256xf32, #tpu.memory_space<vmem>> -> memref<40x256xf32, #tpu.memory_space<vmem>>
        tpu.wait_dma2 semaphore(%run_scoped3A_77 : memref<!tpu.dma_semaphore, #tpu.memory_space<semaphore_mem>>) src(%dma_wait3A_105 : memref<40x256xf32, #tpu.memory_space<vmem>>) dst(%dma_wait3A_101 : memref<40x256xf32, #tpu.memory_space<hbm>>)
        tpu.yield
      }) : () -> ()
    }
    %scan3A_19 = arith.constant 20 : i32
    return
  }
}

#map = affine_map<(d0, d1) -> (0)>
#map1 = affine_map<(d0, d1) -> (0, 0)>
#map2 = affine_map<(d0, d1) -> (0, 0, 0)>
module attributes {stable_mosaic.version = 14 : i64} {
  func.func @gather_k(%arg0: i32, %arg1: i32, %arg2: memref<51200xi32, #tpu.memory_space<hbm>>, %arg3: memref<51200xi32, #tpu.memory_space<hbm>>, %arg4: memref<100000x256xf32, #tpu.memory_space<hbm>>, %arg5: memref<2x51200x256xf32, #tpu.memory_space<hbm>>, %arg6: memref<1600xi32, #tpu.memory_space<vmem>>, %arg7: memref<1600xi32, #tpu.memory_space<vmem>>, %arg8: memref<2x40x256xf32, #tpu.memory_space<vmem>>, %arg9: memref<2x40x256xf32, #tpu.memory_space<vmem>>, %arg10: memref<2x!tpu.dma_semaphore, #tpu.memory_space<semaphore_mem>>, %arg11: memref<2x!tpu.dma_semaphore, #tpu.memory_space<semaphore_mem>>) attributes {dimension_semantics = [#tpu.dimension_semantics<core_parallel>, #tpu.dimension_semantics<subcore_parallel>], iteration_bounds = array<i64: 2, 16>, scalar_prefetch = 0 : i64, scratch_operands = 6 : i64, tpu.core_type = #tpu.core_type<sc_vector_subcore>, window_params = [{transform_indices = #map}, {transform_indices = #map}, {transform_indices = #map1}, {transform_indices = #map2}]} {
    %mul3A = arith.constant 2 : i32
    %mul3A_0 = arith.muli %arg1, %mul3A : i32
    %add3A = arith.addi %mul3A_0, %arg0 : i32
    %mul3A_1 = arith.constant 1600 : i32
    %mul3A_2 = arith.muli %add3A, %mul3A_1 : i32
    "tpu.region"() ({
      %run_scoped3A = tpu.sem_alloc : memref<!tpu.dma_semaphore, #tpu.memory_space<semaphore_mem>>
      %dma_start3A_33 = tpu.memref_slice %arg2[%mul3A_2] : memref<51200xi32, #tpu.memory_space<hbm>> -> memref<1600xi32, #tpu.memory_space<hbm>>
      %dma_start3A_34 = tpu.memref_slice %arg2[%mul3A_2] : memref<51200xi32, #tpu.memory_space<hbm>> -> memref<1600xi32, #tpu.memory_space<hbm>>
      tpu.enqueue_dma source(%dma_start3A_34 : memref<1600xi32, #tpu.memory_space<hbm>>) target(%arg6 : memref<1600xi32, #tpu.memory_space<vmem>>) target_semaphore(%run_scoped3A : memref<!tpu.dma_semaphore, #tpu.memory_space<semaphore_mem>>)
      %dma_wait3A = tpu.memref_slice %arg2[%mul3A_2] : memref<51200xi32, #tpu.memory_space<hbm>> -> memref<1600xi32, #tpu.memory_space<hbm>>
      %dma_wait3A_35 = tpu.memref_slice %arg2[%mul3A_2] : memref<51200xi32, #tpu.memory_space<hbm>> -> memref<1600xi32, #tpu.memory_space<hbm>>
      tpu.wait_dma2 semaphore(%run_scoped3A : memref<!tpu.dma_semaphore, #tpu.memory_space<semaphore_mem>>) src(%dma_wait3A_35 : memref<1600xi32, #tpu.memory_space<hbm>>) dst(%arg6 : memref<1600xi32, #tpu.memory_space<vmem>>)
      tpu.yield
    }) : () -> ()
    "tpu.region"() ({
      %run_scoped3A = tpu.sem_alloc : memref<!tpu.dma_semaphore, #tpu.memory_space<semaphore_mem>>
      %dma_start3A_33 = tpu.memref_slice %arg3[%mul3A_2] : memref<51200xi32, #tpu.memory_space<hbm>> -> memref<1600xi32, #tpu.memory_space<hbm>>
      %dma_start3A_34 = tpu.memref_slice %arg3[%mul3A_2] : memref<51200xi32, #tpu.memory_space<hbm>> -> memref<1600xi32, #tpu.memory_space<hbm>>
      tpu.enqueue_dma source(%dma_start3A_34 : memref<1600xi32, #tpu.memory_space<hbm>>) target(%arg7 : memref<1600xi32, #tpu.memory_space<vmem>>) target_semaphore(%run_scoped3A : memref<!tpu.dma_semaphore, #tpu.memory_space<semaphore_mem>>)
      %dma_wait3A = tpu.memref_slice %arg3[%mul3A_2] : memref<51200xi32, #tpu.memory_space<hbm>> -> memref<1600xi32, #tpu.memory_space<hbm>>
      %dma_wait3A_35 = tpu.memref_slice %arg3[%mul3A_2] : memref<51200xi32, #tpu.memory_space<hbm>> -> memref<1600xi32, #tpu.memory_space<hbm>>
      tpu.wait_dma2 semaphore(%run_scoped3A : memref<!tpu.dma_semaphore, #tpu.memory_space<semaphore_mem>>) src(%dma_wait3A_35 : memref<1600xi32, #tpu.memory_space<hbm>>) dst(%arg7 : memref<1600xi32, #tpu.memory_space<vmem>>)
      tpu.yield
    }) : () -> ()
    %dma_start3A = arith.constant 0 : i32
    %dma_start3A_3 = arith.constant 0 : i32
    %dma_start3A_4 = arith.constant 0 : i32
    %dma_start3A_5 = arith.constant 0 : i32
    %dma_start3A_6 = tpu.memref_slice %arg8[%dma_start3A, %dma_start3A_4, %dma_start3A_5] : memref<2x40x256xf32, #tpu.memory_space<vmem>> -> memref<1x40x256xf32, #tpu.memory_space<vmem>>
    %dma_start3A_7 = tpu.memref_squeeze %dma_start3A_6 : memref<1x40x256xf32, #tpu.memory_space<vmem>> -> memref<40x256xf32, #tpu.memory_space<vmem>>
    %dma_start3A_8 = arith.constant 0 : i32
    %dma_start3A_9 = tpu.memref_slice %arg6[%dma_start3A_8] : memref<1600xi32, #tpu.memory_space<vmem>> -> memref<40xi32, #tpu.memory_space<vmem>>
    %dma_start3A_10 = arith.constant 0 : i32
    %dma_start3A_11 = arith.constant 0 : i32
    %dma_start3A_12 = tpu.memref_slice %arg4[%dma_start3A_10, %dma_start3A_11] : memref<100000x256xf32, #tpu.memory_space<hbm>> -> memref<100000x256xf32, #tpu.memory_space<hbm>>
    %dma_start3A_13 = tpu.memref_slice %arg10[%dma_start3A_3] : memref<2x!tpu.dma_semaphore, #tpu.memory_space<semaphore_mem>> -> memref<1x!tpu.dma_semaphore, #tpu.memory_space<semaphore_mem>>
    %dma_start3A_14 = tpu.memref_squeeze %dma_start3A_13 : memref<1x!tpu.dma_semaphore, #tpu.memory_space<semaphore_mem>> -> memref<!tpu.dma_semaphore, #tpu.memory_space<semaphore_mem>>
    tpu.enqueue_indirect_dma source(%dma_start3A_12 : memref<100000x256xf32, #tpu.memory_space<hbm>>) target(%dma_start3A_7 : memref<40x256xf32, #tpu.memory_space<vmem>>) offsets(%dma_start3A_9 : memref<40xi32, #tpu.memory_space<vmem>>) semaphore(%dma_start3A_14 : memref<!tpu.dma_semaphore, #tpu.memory_space<semaphore_mem>>)
    %dma_start3A_15 = arith.constant 0 : i32
    %dma_start3A_16 = arith.constant 0 : i32
    %dma_start3A_17 = arith.constant 0 : i32
    %dma_start3A_18 = arith.constant 0 : i32
    %dma_start3A_19 = tpu.memref_slice %arg9[%dma_start3A_15, %dma_start3A_17, %dma_start3A_18] : memref<2x40x256xf32, #tpu.memory_space<vmem>> -> memref<1x40x256xf32, #tpu.memory_space<vmem>>
    %dma_start3A_20 = tpu.memref_squeeze %dma_start3A_19 : memref<1x40x256xf32, #tpu.memory_space<vmem>> -> memref<40x256xf32, #tpu.memory_space<vmem>>
    %dma_start3A_21 = arith.constant 0 : i32
    %dma_start3A_22 = tpu.memref_slice %arg7[%dma_start3A_21] : memref<1600xi32, #tpu.memory_space<vmem>> -> memref<40xi32, #tpu.memory_space<vmem>>
    %dma_start3A_23 = arith.constant 0 : i32
    %dma_start3A_24 = arith.constant 0 : i32
    %dma_start3A_25 = tpu.memref_slice %arg4[%dma_start3A_23, %dma_start3A_24] : memref<100000x256xf32, #tpu.memory_space<hbm>> -> memref<100000x256xf32, #tpu.memory_space<hbm>>
    %dma_start3A_26 = tpu.memref_slice %arg11[%dma_start3A_16] : memref<2x!tpu.dma_semaphore, #tpu.memory_space<semaphore_mem>> -> memref<1x!tpu.dma_semaphore, #tpu.memory_space<semaphore_mem>>
    %dma_start3A_27 = tpu.memref_squeeze %dma_start3A_26 : memref<1x!tpu.dma_semaphore, #tpu.memory_space<semaphore_mem>> -> memref<!tpu.dma_semaphore, #tpu.memory_space<semaphore_mem>>
    tpu.enqueue_indirect_dma source(%dma_start3A_25 : memref<100000x256xf32, #tpu.memory_space<hbm>>) target(%dma_start3A_20 : memref<40x256xf32, #tpu.memory_space<vmem>>) offsets(%dma_start3A_22 : memref<40xi32, #tpu.memory_space<vmem>>) semaphore(%dma_start3A_27 : memref<!tpu.dma_semaphore, #tpu.memory_space<semaphore_mem>>)
    %scan3A = arith.constant 0 : i32
    %scan3A_28 = arith.constant 0 : i32
    %scan3A_29 = arith.constant 20 : i32
    %scan3A_30 = arith.addi %scan3A_28, %scan3A_29 : i32
    %scan3A_31 = arith.constant 1 : i32
    scf.for %scan3A_33 = %scan3A_28 to %scan3A_30 step %scan3A_31  : i32 {
      %mul3A_34 = arith.constant 2 : i32
      %mul3A_35 = arith.muli %mul3A_34, %scan3A_33 : i32
      %add3A_36 = arith.constant 1 : i32
      %add3A_37 = arith.addi %mul3A_35, %add3A_36 : i32
      %mul3A_38 = arith.constant 40 : i32
      %mul3A_39 = arith.muli %add3A_37, %mul3A_38 : i32
      %dma_start3A_40 = arith.constant 1 : i32
      %dma_start3A_41 = arith.constant 1 : i32
      %dma_start3A_42 = arith.constant 0 : i32
      %dma_start3A_43 = arith.constant 0 : i32
      %dma_start3A_44 = tpu.memref_slice %arg8[%dma_start3A_40, %dma_start3A_42, %dma_start3A_43] : memref<2x40x256xf32, #tpu.memory_space<vmem>> -> memref<1x40x256xf32, #tpu.memory_space<vmem>>
      %dma_start3A_45 = tpu.memref_squeeze %dma_start3A_44 : memref<1x40x256xf32, #tpu.memory_space<vmem>> -> memref<40x256xf32, #tpu.memory_space<vmem>>
      %dma_start3A_46 = tpu.memref_slice %arg6[%mul3A_39] : memref<1600xi32, #tpu.memory_space<vmem>> -> memref<40xi32, #tpu.memory_space<vmem>>
      %dma_start3A_47 = arith.constant 0 : i32
      %dma_start3A_48 = arith.constant 0 : i32
      %dma_start3A_49 = tpu.memref_slice %arg4[%dma_start3A_47, %dma_start3A_48] : memref<100000x256xf32, #tpu.memory_space<hbm>> -> memref<100000x256xf32, #tpu.memory_space<hbm>>
      %dma_start3A_50 = tpu.memref_slice %arg10[%dma_start3A_41] : memref<2x!tpu.dma_semaphore, #tpu.memory_space<semaphore_mem>> -> memref<1x!tpu.dma_semaphore, #tpu.memory_space<semaphore_mem>>
      %dma_start3A_51 = tpu.memref_squeeze %dma_start3A_50 : memref<1x!tpu.dma_semaphore, #tpu.memory_space<semaphore_mem>> -> memref<!tpu.dma_semaphore, #tpu.memory_space<semaphore_mem>>
      tpu.enqueue_indirect_dma source(%dma_start3A_49 : memref<100000x256xf32, #tpu.memory_space<hbm>>) target(%dma_start3A_45 : memref<40x256xf32, #tpu.memory_space<vmem>>) offsets(%dma_start3A_46 : memref<40xi32, #tpu.memory_space<vmem>>) semaphore(%dma_start3A_51 : memref<!tpu.dma_semaphore, #tpu.memory_space<semaphore_mem>>)
      %dma_start3A_52 = arith.constant 1 : i32
      %dma_start3A_53 = arith.constant 1 : i32
      %dma_start3A_54 = arith.constant 0 : i32
      %dma_start3A_55 = arith.constant 0 : i32
      %dma_start3A_56 = tpu.memref_slice %arg9[%dma_start3A_52, %dma_start3A_54, %dma_start3A_55] : memref<2x40x256xf32, #tpu.memory_space<vmem>> -> memref<1x40x256xf32, #tpu.memory_space<vmem>>
      %dma_start3A_57 = tpu.memref_squeeze %dma_start3A_56 : memref<1x40x256xf32, #tpu.memory_space<vmem>> -> memref<40x256xf32, #tpu.memory_space<vmem>>
      %dma_start3A_58 = tpu.memref_slice %arg7[%mul3A_39] : memref<1600xi32, #tpu.memory_space<vmem>> -> memref<40xi32, #tpu.memory_space<vmem>>
      %dma_start3A_59 = arith.constant 0 : i32
      %dma_start3A_60 = arith.constant 0 : i32
      %dma_start3A_61 = tpu.memref_slice %arg4[%dma_start3A_59, %dma_start3A_60] : memref<100000x256xf32, #tpu.memory_space<hbm>> -> memref<100000x256xf32, #tpu.memory_space<hbm>>
      %dma_start3A_62 = tpu.memref_slice %arg11[%dma_start3A_53] : memref<2x!tpu.dma_semaphore, #tpu.memory_space<semaphore_mem>> -> memref<1x!tpu.dma_semaphore, #tpu.memory_space<semaphore_mem>>
      %dma_start3A_63 = tpu.memref_squeeze %dma_start3A_62 : memref<1x!tpu.dma_semaphore, #tpu.memory_space<semaphore_mem>> -> memref<!tpu.dma_semaphore, #tpu.memory_space<semaphore_mem>>
      tpu.enqueue_indirect_dma source(%dma_start3A_61 : memref<100000x256xf32, #tpu.memory_space<hbm>>) target(%dma_start3A_57 : memref<40x256xf32, #tpu.memory_space<vmem>>) offsets(%dma_start3A_58 : memref<40xi32, #tpu.memory_space<vmem>>) semaphore(%dma_start3A_63 : memref<!tpu.dma_semaphore, #tpu.memory_space<semaphore_mem>>)
      %mul3A_64 = arith.constant 40 : i32
      %mul3A_65 = arith.muli %mul3A_35, %mul3A_64 : i32
      %add3A_66 = arith.addi %mul3A_2, %mul3A_65 : i32
      %dma_wait3A = arith.constant 0 : i32
      %dma_wait3A_67 = arith.constant 0 : i32
      %dma_wait3A_68 = arith.constant 0 : i32
      %dma_wait3A_69 = arith.constant 0 : i32
      %dma_wait3A_70 = tpu.memref_slice %arg8[%dma_wait3A, %dma_wait3A_68, %dma_wait3A_69] : memref<2x40x256xf32, #tpu.memory_space<vmem>> -> memref<1x40x256xf32, #tpu.memory_space<vmem>>
      %dma_wait3A_71 = tpu.memref_squeeze %dma_wait3A_70 : memref<1x40x256xf32, #tpu.memory_space<vmem>> -> memref<40x256xf32, #tpu.memory_space<vmem>>
      %dma_wait3A_72 = arith.constant 0 : i32
      %dma_wait3A_73 = tpu.memref_slice %arg6[%dma_wait3A_72] : memref<1600xi32, #tpu.memory_space<vmem>> -> memref<40xi32, #tpu.memory_space<vmem>>
      %dma_wait3A_74 = arith.constant 0 : i32
      %dma_wait3A_75 = arith.constant 0 : i32
      %dma_wait3A_76 = tpu.memref_slice %arg4[%dma_wait3A_74, %dma_wait3A_75] : memref<100000x256xf32, #tpu.memory_space<hbm>> -> memref<100000x256xf32, #tpu.memory_space<hbm>>
      %dma_wait3A_77 = tpu.memref_slice %arg10[%dma_wait3A_67] : memref<2x!tpu.dma_semaphore, #tpu.memory_space<semaphore_mem>> -> memref<1x!tpu.dma_semaphore, #tpu.memory_space<semaphore_mem>>
      %dma_wait3A_78 = tpu.memref_squeeze %dma_wait3A_77 : memref<1x!tpu.dma_semaphore, #tpu.memory_space<semaphore_mem>> -> memref<!tpu.dma_semaphore, #tpu.memory_space<semaphore_mem>>
      tpu.wait_indirect_dma semaphore(%dma_wait3A_78 : memref<!tpu.dma_semaphore, #tpu.memory_space<semaphore_mem>>) src(%dma_wait3A_76 : memref<100000x256xf32, #tpu.memory_space<hbm>>) dst(%dma_wait3A_71 : memref<40x256xf32, #tpu.memory_space<vmem>>)
      %run_scoped3A = arith.constant 0 : i32
      %run_scoped3A_79 = arith.constant 0 : i32
      "tpu.region"() ({
        %run_scoped3A_132 = tpu.sem_alloc : memref<!tpu.dma_semaphore, #tpu.memory_space<semaphore_mem>>
        %dma_start3A_133 = arith.constant 0 : i32
        %dma_start3A_134 = arith.constant 0 : i32
        %dma_start3A_135 = tpu.memref_slice %arg8[%run_scoped3A, %dma_start3A_133, %dma_start3A_134] : memref<2x40x256xf32, #tpu.memory_space<vmem>> -> memref<1x40x256xf32, #tpu.memory_space<vmem>>
        %dma_start3A_136 = tpu.memref_squeeze %dma_start3A_135 : memref<1x40x256xf32, #tpu.memory_space<vmem>> -> memref<40x256xf32, #tpu.memory_space<vmem>>
        %dma_start3A_137 = arith.constant 0 : i32
        %dma_start3A_138 = tpu.memref_slice %arg5[%run_scoped3A_79, %add3A_66, %dma_start3A_137] : memref<2x51200x256xf32, #tpu.memory_space<hbm>> -> memref<1x40x256xf32, #tpu.memory_space<hbm>>
        %dma_start3A_139 = tpu.memref_squeeze %dma_start3A_138 : memref<1x40x256xf32, #tpu.memory_space<hbm>> -> memref<40x256xf32, #tpu.memory_space<hbm>>
        %dma_start3A_140 = arith.constant 0 : i32
        %dma_start3A_141 = tpu.memref_slice %arg5[%run_scoped3A_79, %add3A_66, %dma_start3A_140] : memref<2x51200x256xf32, #tpu.memory_space<hbm>> -> memref<1x40x256xf32, #tpu.memory_space<hbm>>
        %dma_start3A_142 = tpu.memref_squeeze %dma_start3A_141 : memref<1x40x256xf32, #tpu.memory_space<hbm>> -> memref<40x256xf32, #tpu.memory_space<hbm>>
        %dma_start3A_143 = arith.constant 0 : i32
        %dma_start3A_144 = arith.constant 0 : i32
        %dma_start3A_145 = tpu.memref_slice %arg8[%run_scoped3A, %dma_start3A_143, %dma_start3A_144] : memref<2x40x256xf32, #tpu.memory_space<vmem>> -> memref<1x40x256xf32, #tpu.memory_space<vmem>>
        %dma_start3A_146 = tpu.memref_squeeze %dma_start3A_145 : memref<1x40x256xf32, #tpu.memory_space<vmem>> -> memref<40x256xf32, #tpu.memory_space<vmem>>
        tpu.enqueue_dma source(%dma_start3A_146 : memref<40x256xf32, #tpu.memory_space<vmem>>) target(%dma_start3A_142 : memref<40x256xf32, #tpu.memory_space<hbm>>) target_semaphore(%run_scoped3A_132 : memref<!tpu.dma_semaphore, #tpu.memory_space<semaphore_mem>>)
        %dma_wait3A_147 = arith.constant 0 : i32
        %dma_wait3A_148 = arith.constant 0 : i32
        %dma_wait3A_149 = tpu.memref_slice %arg8[%run_scoped3A, %dma_wait3A_147, %dma_wait3A_148] : memref<2x40x256xf32, #tpu.memory_space<vmem>> -> memref<1x40x256xf32, #tpu.memory_space<vmem>>
        %dma_wait3A_150 = tpu.memref_squeeze %dma_wait3A_149 : memref<1x40x256xf32, #tpu.memory_space<vmem>> -> memref<40x256xf32, #tpu.memory_space<vmem>>
        %dma_wait3A_151 = arith.constant 0 : i32
        %dma_wait3A_152 = tpu.memref_slice %arg5[%run_scoped3A_79, %add3A_66, %dma_wait3A_151] : memref<2x51200x256xf32, #tpu.memory_space<hbm>> -> memref<1x40x256xf32, #tpu.memory_space<hbm>>
        %dma_wait3A_153 = tpu.memref_squeeze %dma_wait3A_152 : memref<1x40x256xf32, #tpu.memory_space<hbm>> -> memref<40x256xf32, #tpu.memory_space<hbm>>
        %dma_wait3A_154 = arith.constant 0 : i32
        %dma_wait3A_155 = tpu.memref_slice %arg5[%run_scoped3A_79, %add3A_66, %dma_wait3A_154] : memref<2x51200x256xf32, #tpu.memory_space<hbm>> -> memref<1x40x256xf32, #tpu.memory_space<hbm>>
        %dma_wait3A_156 = tpu.memref_squeeze %dma_wait3A_155 : memref<1x40x256xf32, #tpu.memory_space<hbm>> -> memref<40x256xf32, #tpu.memory_space<hbm>>
        %dma_wait3A_157 = arith.constant 0 : i32
        %dma_wait3A_158 = arith.constant 0 : i32
        %dma_wait3A_159 = tpu.memref_slice %arg8[%run_scoped3A, %dma_wait3A_157, %dma_wait3A_158] : memref<2x40x256xf32, #tpu.memory_space<vmem>> -> memref<1x40x256xf32, #tpu.memory_space<vmem>>
        %dma_wait3A_160 = tpu.memref_squeeze %dma_wait3A_159 : memref<1x40x256xf32, #tpu.memory_space<vmem>> -> memref<40x256xf32, #tpu.memory_space<vmem>>
        tpu.wait_dma2 semaphore(%run_scoped3A_132 : memref<!tpu.dma_semaphore, #tpu.memory_space<semaphore_mem>>) src(%dma_wait3A_160 : memref<40x256xf32, #tpu.memory_space<vmem>>) dst(%dma_wait3A_156 : memref<40x256xf32, #tpu.memory_space<hbm>>)
        tpu.yield
      }) : () -> ()
      %dma_wait3A_80 = arith.constant 0 : i32
      %dma_wait3A_81 = arith.constant 0 : i32
      %dma_wait3A_82 = arith.constant 0 : i32
      %dma_wait3A_83 = arith.constant 0 : i32
      %dma_wait3A_84 = tpu.memref_slice %arg9[%dma_wait3A_80, %dma_wait3A_82, %dma_wait3A_83] : memref<2x40x256xf32, #tpu.memory_space<vmem>> -> memref<1x40x256xf32, #tpu.memory_space<vmem>>
      %dma_wait3A_85 = tpu.memref_squeeze %dma_wait3A_84 : memref<1x40x256xf32, #tpu.memory_space<vmem>> -> memref<40x256xf32, #tpu.memory_space<vmem>>
      %dma_wait3A_86 = arith.constant 0 : i32
      %dma_wait3A_87 = tpu.memref_slice %arg7[%dma_wait3A_86] : memref<1600xi32, #tpu.memory_space<vmem>> -> memref<40xi32, #tpu.memory_space<vmem>>
      %dma_wait3A_88 = arith.constant 0 : i32
      %dma_wait3A_89 = arith.constant 0 : i32
      %dma_wait3A_90 = tpu.memref_slice %arg4[%dma_wait3A_88, %dma_wait3A_89] : memref<100000x256xf32, #tpu.memory_space<hbm>> -> memref<100000x256xf32, #tpu.memory_space<hbm>>
      %dma_wait3A_91 = tpu.memref_slice %arg11[%dma_wait3A_81] : memref<2x!tpu.dma_semaphore, #tpu.memory_space<semaphore_mem>> -> memref<1x!tpu.dma_semaphore, #tpu.memory_space<semaphore_mem>>
      %dma_wait3A_92 = tpu.memref_squeeze %dma_wait3A_91 : memref<1x!tpu.dma_semaphore, #tpu.memory_space<semaphore_mem>> -> memref<!tpu.dma_semaphore, #tpu.memory_space<semaphore_mem>>
      tpu.wait_indirect_dma semaphore(%dma_wait3A_92 : memref<!tpu.dma_semaphore, #tpu.memory_space<semaphore_mem>>) src(%dma_wait3A_90 : memref<100000x256xf32, #tpu.memory_space<hbm>>) dst(%dma_wait3A_85 : memref<40x256xf32, #tpu.memory_space<vmem>>)
      %run_scoped3A_93 = arith.constant 0 : i32
      %run_scoped3A_94 = arith.constant 1 : i32
      "tpu.region"() ({
        %run_scoped3A_132 = tpu.sem_alloc : memref<!tpu.dma_semaphore, #tpu.memory_space<semaphore_mem>>
        %dma_start3A_133 = arith.constant 0 : i32
        %dma_start3A_134 = arith.constant 0 : i32
        %dma_start3A_135 = tpu.memref_slice %arg9[%run_scoped3A_93, %dma_start3A_133, %dma_start3A_134] : memref<2x40x256xf32, #tpu.memory_space<vmem>> -> memref<1x40x256xf32, #tpu.memory_space<vmem>>
        %dma_start3A_136 = tpu.memref_squeeze %dma_start3A_135 : memref<1x40x256xf32, #tpu.memory_space<vmem>> -> memref<40x256xf32, #tpu.memory_space<vmem>>
        %dma_start3A_137 = arith.constant 0 : i32
        %dma_start3A_138 = tpu.memref_slice %arg5[%run_scoped3A_94, %add3A_66, %dma_start3A_137] : memref<2x51200x256xf32, #tpu.memory_space<hbm>> -> memref<1x40x256xf32, #tpu.memory_space<hbm>>
        %dma_start3A_139 = tpu.memref_squeeze %dma_start3A_138 : memref<1x40x256xf32, #tpu.memory_space<hbm>> -> memref<40x256xf32, #tpu.memory_space<hbm>>
        %dma_start3A_140 = arith.constant 0 : i32
        %dma_start3A_141 = tpu.memref_slice %arg5[%run_scoped3A_94, %add3A_66, %dma_start3A_140] : memref<2x51200x256xf32, #tpu.memory_space<hbm>> -> memref<1x40x256xf32, #tpu.memory_space<hbm>>
        %dma_start3A_142 = tpu.memref_squeeze %dma_start3A_141 : memref<1x40x256xf32, #tpu.memory_space<hbm>> -> memref<40x256xf32, #tpu.memory_space<hbm>>
        %dma_start3A_143 = arith.constant 0 : i32
        %dma_start3A_144 = arith.constant 0 : i32
        %dma_start3A_145 = tpu.memref_slice %arg9[%run_scoped3A_93, %dma_start3A_143, %dma_start3A_144] : memref<2x40x256xf32, #tpu.memory_space<vmem>> -> memref<1x40x256xf32, #tpu.memory_space<vmem>>
        %dma_start3A_146 = tpu.memref_squeeze %dma_start3A_145 : memref<1x40x256xf32, #tpu.memory_space<vmem>> -> memref<40x256xf32, #tpu.memory_space<vmem>>
        tpu.enqueue_dma source(%dma_start3A_146 : memref<40x256xf32, #tpu.memory_space<vmem>>) target(%dma_start3A_142 : memref<40x256xf32, #tpu.memory_space<hbm>>) target_semaphore(%run_scoped3A_132 : memref<!tpu.dma_semaphore, #tpu.memory_space<semaphore_mem>>)
        %dma_wait3A_147 = arith.constant 0 : i32
        %dma_wait3A_148 = arith.constant 0 : i32
        %dma_wait3A_149 = tpu.memref_slice %arg9[%run_scoped3A_93, %dma_wait3A_147, %dma_wait3A_148] : memref<2x40x256xf32, #tpu.memory_space<vmem>> -> memref<1x40x256xf32, #tpu.memory_space<vmem>>
        %dma_wait3A_150 = tpu.memref_squeeze %dma_wait3A_149 : memref<1x40x256xf32, #tpu.memory_space<vmem>> -> memref<40x256xf32, #tpu.memory_space<vmem>>
        %dma_wait3A_151 = arith.constant 0 : i32
        %dma_wait3A_152 = tpu.memref_slice %arg5[%run_scoped3A_94, %add3A_66, %dma_wait3A_151] : memref<2x51200x256xf32, #tpu.memory_space<hbm>> -> memref<1x40x256xf32, #tpu.memory_space<hbm>>
        %dma_wait3A_153 = tpu.memref_squeeze %dma_wait3A_152 : memref<1x40x256xf32, #tpu.memory_space<hbm>> -> memref<40x256xf32, #tpu.memory_space<hbm>>
        %dma_wait3A_154 = arith.constant 0 : i32
        %dma_wait3A_155 = tpu.memref_slice %arg5[%run_scoped3A_94, %add3A_66, %dma_wait3A_154] : memref<2x51200x256xf32, #tpu.memory_space<hbm>> -> memref<1x40x256xf32, #tpu.memory_space<hbm>>
        %dma_wait3A_156 = tpu.memref_squeeze %dma_wait3A_155 : memref<1x40x256xf32, #tpu.memory_space<hbm>> -> memref<40x256xf32, #tpu.memory_space<hbm>>
        %dma_wait3A_157 = arith.constant 0 : i32
        %dma_wait3A_158 = arith.constant 0 : i32
        %dma_wait3A_159 = tpu.memref_slice %arg9[%run_scoped3A_93, %dma_wait3A_157, %dma_wait3A_158] : memref<2x40x256xf32, #tpu.memory_space<vmem>> -> memref<1x40x256xf32, #tpu.memory_space<vmem>>
        %dma_wait3A_160 = tpu.memref_squeeze %dma_wait3A_159 : memref<1x40x256xf32, #tpu.memory_space<vmem>> -> memref<40x256xf32, #tpu.memory_space<vmem>>
        tpu.wait_dma2 semaphore(%run_scoped3A_132 : memref<!tpu.dma_semaphore, #tpu.memory_space<semaphore_mem>>) src(%dma_wait3A_160 : memref<40x256xf32, #tpu.memory_space<vmem>>) dst(%dma_wait3A_156 : memref<40x256xf32, #tpu.memory_space<hbm>>)
        tpu.yield
      }) : () -> ()
      %lt3A = arith.constant 19 : i32
      %lt3A_95 = arith.cmpi slt, %scan3A_33, %lt3A : i32
      %convert_element_type3A = arith.extui %lt3A_95 : i1 to i32
      %cond3A = arith.constant 0 : i32
      %cond3A_96 = arith.cmpi ne, %convert_element_type3A, %cond3A : i32
      scf.if %cond3A_96 {
        %add3A_132 = arith.constant 2 : i32
        %add3A_133 = arith.addi %mul3A_35, %add3A_132 : i32
        %mul3A_134 = arith.constant 40 : i32
        %mul3A_135 = arith.muli %add3A_133, %mul3A_134 : i32
        %dma_start3A_136 = arith.constant 0 : i32
        %dma_start3A_137 = arith.constant 0 : i32
        %dma_start3A_138 = arith.constant 0 : i32
        %dma_start3A_139 = arith.constant 0 : i32
        %dma_start3A_140 = tpu.memref_slice %arg8[%dma_start3A_136, %dma_start3A_138, %dma_start3A_139] : memref<2x40x256xf32, #tpu.memory_space<vmem>> -> memref<1x40x256xf32, #tpu.memory_space<vmem>>
        %dma_start3A_141 = tpu.memref_squeeze %dma_start3A_140 : memref<1x40x256xf32, #tpu.memory_space<vmem>> -> memref<40x256xf32, #tpu.memory_space<vmem>>
        %dma_start3A_142 = tpu.memref_slice %arg6[%mul3A_135] : memref<1600xi32, #tpu.memory_space<vmem>> -> memref<40xi32, #tpu.memory_space<vmem>>
        %dma_start3A_143 = arith.constant 0 : i32
        %dma_start3A_144 = arith.constant 0 : i32
        %dma_start3A_145 = tpu.memref_slice %arg4[%dma_start3A_143, %dma_start3A_144] : memref<100000x256xf32, #tpu.memory_space<hbm>> -> memref<100000x256xf32, #tpu.memory_space<hbm>>
        %dma_start3A_146 = tpu.memref_slice %arg10[%dma_start3A_137] : memref<2x!tpu.dma_semaphore, #tpu.memory_space<semaphore_mem>> -> memref<1x!tpu.dma_semaphore, #tpu.memory_space<semaphore_mem>>
        %dma_start3A_147 = tpu.memref_squeeze %dma_start3A_146 : memref<1x!tpu.dma_semaphore, #tpu.memory_space<semaphore_mem>> -> memref<!tpu.dma_semaphore, #tpu.memory_space<semaphore_mem>>
        tpu.enqueue_indirect_dma source(%dma_start3A_145 : memref<100000x256xf32, #tpu.memory_space<hbm>>) target(%dma_start3A_141 : memref<40x256xf32, #tpu.memory_space<vmem>>) offsets(%dma_start3A_142 : memref<40xi32, #tpu.memory_space<vmem>>) semaphore(%dma_start3A_147 : memref<!tpu.dma_semaphore, #tpu.memory_space<semaphore_mem>>)
        %dma_start3A_148 = arith.constant 0 : i32
        %dma_start3A_149 = arith.constant 0 : i32
        %dma_start3A_150 = arith.constant 0 : i32
        %dma_start3A_151 = arith.constant 0 : i32
        %dma_start3A_152 = tpu.memref_slice %arg9[%dma_start3A_148, %dma_start3A_150, %dma_start3A_151] : memref<2x40x256xf32, #tpu.memory_space<vmem>> -> memref<1x40x256xf32, #tpu.memory_space<vmem>>
        %dma_start3A_153 = tpu.memref_squeeze %dma_start3A_152 : memref<1x40x256xf32, #tpu.memory_space<vmem>> -> memref<40x256xf32, #tpu.memory_space<vmem>>
        %dma_start3A_154 = tpu.memref_slice %arg7[%mul3A_135] : memref<1600xi32, #tpu.memory_space<vmem>> -> memref<40xi32, #tpu.memory_space<vmem>>
        %dma_start3A_155 = arith.constant 0 : i32
        %dma_start3A_156 = arith.constant 0 : i32
        %dma_start3A_157 = tpu.memref_slice %arg4[%dma_start3A_155, %dma_start3A_156] : memref<100000x256xf32, #tpu.memory_space<hbm>> -> memref<100000x256xf32, #tpu.memory_space<hbm>>
        %dma_start3A_158 = tpu.memref_slice %arg11[%dma_start3A_149] : memref<2x!tpu.dma_semaphore, #tpu.memory_space<semaphore_mem>> -> memref<1x!tpu.dma_semaphore, #tpu.memory_space<semaphore_mem>>
        %dma_start3A_159 = tpu.memref_squeeze %dma_start3A_158 : memref<1x!tpu.dma_semaphore, #tpu.memory_space<semaphore_mem>> -> memref<!tpu.dma_semaphore, #tpu.memory_space<semaphore_mem>>
        tpu.enqueue_indirect_dma source(%dma_start3A_157 : memref<100000x256xf32, #tpu.memory_space<hbm>>) target(%dma_start3A_153 : memref<40x256xf32, #tpu.memory_space<vmem>>) offsets(%dma_start3A_154 : memref<40xi32, #tpu.memory_space<vmem>>) semaphore(%dma_start3A_159 : memref<!tpu.dma_semaphore, #tpu.memory_space<semaphore_mem>>)
      } else {
      }
      %add3A_97 = arith.constant 1 : i32
      %add3A_98 = arith.addi %mul3A_35, %add3A_97 : i32
      %mul3A_99 = arith.constant 40 : i32
      %mul3A_100 = arith.muli %add3A_98, %mul3A_99 : i32
      %add3A_101 = arith.addi %mul3A_2, %mul3A_100 : i32
      %dma_wait3A_102 = arith.constant 1 : i32
      %dma_wait3A_103 = arith.constant 1 : i32
      %dma_wait3A_104 = arith.constant 0 : i32
      %dma_wait3A_105 = arith.constant 0 : i32
      %dma_wait3A_106 = tpu.memref_slice %arg8[%dma_wait3A_102, %dma_wait3A_104, %dma_wait3A_105] : memref<2x40x256xf32, #tpu.memory_space<vmem>> -> memref<1x40x256xf32, #tpu.memory_space<vmem>>
      %dma_wait3A_107 = tpu.memref_squeeze %dma_wait3A_106 : memref<1x40x256xf32, #tpu.memory_space<vmem>> -> memref<40x256xf32, #tpu.memory_space<vmem>>
      %dma_wait3A_108 = arith.constant 0 : i32
      %dma_wait3A_109 = tpu.memref_slice %arg6[%dma_wait3A_108] : memref<1600xi32, #tpu.memory_space<vmem>> -> memref<40xi32, #tpu.memory_space<vmem>>
      %dma_wait3A_110 = arith.constant 0 : i32
      %dma_wait3A_111 = arith.constant 0 : i32
      %dma_wait3A_112 = tpu.memref_slice %arg4[%dma_wait3A_110, %dma_wait3A_111] : memref<100000x256xf32, #tpu.memory_space<hbm>> -> memref<100000x256xf32, #tpu.memory_space<hbm>>
      %dma_wait3A_113 = tpu.memref_slice %arg10[%dma_wait3A_103] : memref<2x!tpu.dma_semaphore, #tpu.memory_space<semaphore_mem>> -> memref<1x!tpu.dma_semaphore, #tpu.memory_space<semaphore_mem>>
      %dma_wait3A_114 = tpu.memref_squeeze %dma_wait3A_113 : memref<1x!tpu.dma_semaphore, #tpu.memory_space<semaphore_mem>> -> memref<!tpu.dma_semaphore, #tpu.memory_space<semaphore_mem>>
      tpu.wait_indirect_dma semaphore(%dma_wait3A_114 : memref<!tpu.dma_semaphore, #tpu.memory_space<semaphore_mem>>) src(%dma_wait3A_112 : memref<100000x256xf32, #tpu.memory_space<hbm>>) dst(%dma_wait3A_107 : memref<40x256xf32, #tpu.memory_space<vmem>>)
      %run_scoped3A_115 = arith.constant 1 : i32
      %run_scoped3A_116 = arith.constant 0 : i32
      "tpu.region"() ({
        %run_scoped3A_132 = tpu.sem_alloc : memref<!tpu.dma_semaphore, #tpu.memory_space<semaphore_mem>>
        %dma_start3A_133 = arith.constant 0 : i32
        %dma_start3A_134 = arith.constant 0 : i32
        %dma_start3A_135 = tpu.memref_slice %arg8[%run_scoped3A_115, %dma_start3A_133, %dma_start3A_134] : memref<2x40x256xf32, #tpu.memory_space<vmem>> -> memref<1x40x256xf32, #tpu.memory_space<vmem>>
        %dma_start3A_136 = tpu.memref_squeeze %dma_start3A_135 : memref<1x40x256xf32, #tpu.memory_space<vmem>> -> memref<40x256xf32, #tpu.memory_space<vmem>>
        %dma_start3A_137 = arith.constant 0 : i32
        %dma_start3A_138 = tpu.memref_slice %arg5[%run_scoped3A_116, %add3A_101, %dma_start3A_137] : memref<2x51200x256xf32, #tpu.memory_space<hbm>> -> memref<1x40x256xf32, #tpu.memory_space<hbm>>
        %dma_start3A_139 = tpu.memref_squeeze %dma_start3A_138 : memref<1x40x256xf32, #tpu.memory_space<hbm>> -> memref<40x256xf32, #tpu.memory_space<hbm>>
        %dma_start3A_140 = arith.constant 0 : i32
        %dma_start3A_141 = tpu.memref_slice %arg5[%run_scoped3A_116, %add3A_101, %dma_start3A_140] : memref<2x51200x256xf32, #tpu.memory_space<hbm>> -> memref<1x40x256xf32, #tpu.memory_space<hbm>>
        %dma_start3A_142 = tpu.memref_squeeze %dma_start3A_141 : memref<1x40x256xf32, #tpu.memory_space<hbm>> -> memref<40x256xf32, #tpu.memory_space<hbm>>
        %dma_start3A_143 = arith.constant 0 : i32
        %dma_start3A_144 = arith.constant 0 : i32
        %dma_start3A_145 = tpu.memref_slice %arg8[%run_scoped3A_115, %dma_start3A_143, %dma_start3A_144] : memref<2x40x256xf32, #tpu.memory_space<vmem>> -> memref<1x40x256xf32, #tpu.memory_space<vmem>>
        %dma_start3A_146 = tpu.memref_squeeze %dma_start3A_145 : memref<1x40x256xf32, #tpu.memory_space<vmem>> -> memref<40x256xf32, #tpu.memory_space<vmem>>
        tpu.enqueue_dma source(%dma_start3A_146 : memref<40x256xf32, #tpu.memory_space<vmem>>) target(%dma_start3A_142 : memref<40x256xf32, #tpu.memory_space<hbm>>) target_semaphore(%run_scoped3A_132 : memref<!tpu.dma_semaphore, #tpu.memory_space<semaphore_mem>>)
        %dma_wait3A_147 = arith.constant 0 : i32
        %dma_wait3A_148 = arith.constant 0 : i32
        %dma_wait3A_149 = tpu.memref_slice %arg8[%run_scoped3A_115, %dma_wait3A_147, %dma_wait3A_148] : memref<2x40x256xf32, #tpu.memory_space<vmem>> -> memref<1x40x256xf32, #tpu.memory_space<vmem>>
        %dma_wait3A_150 = tpu.memref_squeeze %dma_wait3A_149 : memref<1x40x256xf32, #tpu.memory_space<vmem>> -> memref<40x256xf32, #tpu.memory_space<vmem>>
        %dma_wait3A_151 = arith.constant 0 : i32
        %dma_wait3A_152 = tpu.memref_slice %arg5[%run_scoped3A_116, %add3A_101, %dma_wait3A_151] : memref<2x51200x256xf32, #tpu.memory_space<hbm>> -> memref<1x40x256xf32, #tpu.memory_space<hbm>>
        %dma_wait3A_153 = tpu.memref_squeeze %dma_wait3A_152 : memref<1x40x256xf32, #tpu.memory_space<hbm>> -> memref<40x256xf32, #tpu.memory_space<hbm>>
        %dma_wait3A_154 = arith.constant 0 : i32
        %dma_wait3A_155 = tpu.memref_slice %arg5[%run_scoped3A_116, %add3A_101, %dma_wait3A_154] : memref<2x51200x256xf32, #tpu.memory_space<hbm>> -> memref<1x40x256xf32, #tpu.memory_space<hbm>>
        %dma_wait3A_156 = tpu.memref_squeeze %dma_wait3A_155 : memref<1x40x256xf32, #tpu.memory_space<hbm>> -> memref<40x256xf32, #tpu.memory_space<hbm>>
        %dma_wait3A_157 = arith.constant 0 : i32
        %dma_wait3A_158 = arith.constant 0 : i32
        %dma_wait3A_159 = tpu.memref_slice %arg8[%run_scoped3A_115, %dma_wait3A_157, %dma_wait3A_158] : memref<2x40x256xf32, #tpu.memory_space<vmem>> -> memref<1x40x256xf32, #tpu.memory_space<vmem>>
        %dma_wait3A_160 = tpu.memref_squeeze %dma_wait3A_159 : memref<1x40x256xf32, #tpu.memory_space<vmem>> -> memref<40x256xf32, #tpu.memory_space<vmem>>
        tpu.wait_dma2 semaphore(%run_scoped3A_132 : memref<!tpu.dma_semaphore, #tpu.memory_space<semaphore_mem>>) src(%dma_wait3A_160 : memref<40x256xf32, #tpu.memory_space<vmem>>) dst(%dma_wait3A_156 : memref<40x256xf32, #tpu.memory_space<hbm>>)
        tpu.yield
      }) : () -> ()
      %dma_wait3A_117 = arith.constant 1 : i32
      %dma_wait3A_118 = arith.constant 1 : i32
      %dma_wait3A_119 = arith.constant 0 : i32
      %dma_wait3A_120 = arith.constant 0 : i32
      %dma_wait3A_121 = tpu.memref_slice %arg9[%dma_wait3A_117, %dma_wait3A_119, %dma_wait3A_120] : memref<2x40x256xf32, #tpu.memory_space<vmem>> -> memref<1x40x256xf32, #tpu.memory_space<vmem>>
      %dma_wait3A_122 = tpu.memref_squeeze %dma_wait3A_121 : memref<1x40x256xf32, #tpu.memory_space<vmem>> -> memref<40x256xf32, #tpu.memory_space<vmem>>
      %dma_wait3A_123 = arith.constant 0 : i32
      %dma_wait3A_124 = tpu.memref_slice %arg7[%dma_wait3A_123] : memref<1600xi32, #tpu.memory_space<vmem>> -> memref<40xi32, #tpu.memory_space<vmem>>
      %dma_wait3A_125 = arith.constant 0 : i32
      %dma_wait3A_126 = arith.constant 0 : i32
      %dma_wait3A_127 = tpu.memref_slice %arg4[%dma_wait3A_125, %dma_wait3A_126] : memref<100000x256xf32, #tpu.memory_space<hbm>> -> memref<100000x256xf32, #tpu.memory_space<hbm>>
      %dma_wait3A_128 = tpu.memref_slice %arg11[%dma_wait3A_118] : memref<2x!tpu.dma_semaphore, #tpu.memory_space<semaphore_mem>> -> memref<1x!tpu.dma_semaphore, #tpu.memory_space<semaphore_mem>>
      %dma_wait3A_129 = tpu.memref_squeeze %dma_wait3A_128 : memref<1x!tpu.dma_semaphore, #tpu.memory_space<semaphore_mem>> -> memref<!tpu.dma_semaphore, #tpu.memory_space<semaphore_mem>>
      tpu.wait_indirect_dma semaphore(%dma_wait3A_129 : memref<!tpu.dma_semaphore, #tpu.memory_space<semaphore_mem>>) src(%dma_wait3A_127 : memref<100000x256xf32, #tpu.memory_space<hbm>>) dst(%dma_wait3A_122 : memref<40x256xf32, #tpu.memory_space<vmem>>)
      %run_scoped3A_130 = arith.constant 1 : i32
      %run_scoped3A_131 = arith.constant 1 : i32
      "tpu.region"() ({
        %run_scoped3A_132 = tpu.sem_alloc : memref<!tpu.dma_semaphore, #tpu.memory_space<semaphore_mem>>
        %dma_start3A_133 = arith.constant 0 : i32
        %dma_start3A_134 = arith.constant 0 : i32
        %dma_start3A_135 = tpu.memref_slice %arg9[%run_scoped3A_130, %dma_start3A_133, %dma_start3A_134] : memref<2x40x256xf32, #tpu.memory_space<vmem>> -> memref<1x40x256xf32, #tpu.memory_space<vmem>>
        %dma_start3A_136 = tpu.memref_squeeze %dma_start3A_135 : memref<1x40x256xf32, #tpu.memory_space<vmem>> -> memref<40x256xf32, #tpu.memory_space<vmem>>
        %dma_start3A_137 = arith.constant 0 : i32
        %dma_start3A_138 = tpu.memref_slice %arg5[%run_scoped3A_131, %add3A_101, %dma_start3A_137] : memref<2x51200x256xf32, #tpu.memory_space<hbm>> -> memref<1x40x256xf32, #tpu.memory_space<hbm>>
        %dma_start3A_139 = tpu.memref_squeeze %dma_start3A_138 : memref<1x40x256xf32, #tpu.memory_space<hbm>> -> memref<40x256xf32, #tpu.memory_space<hbm>>
        %dma_start3A_140 = arith.constant 0 : i32
        %dma_start3A_141 = tpu.memref_slice %arg5[%run_scoped3A_131, %add3A_101, %dma_start3A_140] : memref<2x51200x256xf32, #tpu.memory_space<hbm>> -> memref<1x40x256xf32, #tpu.memory_space<hbm>>
        %dma_start3A_142 = tpu.memref_squeeze %dma_start3A_141 : memref<1x40x256xf32, #tpu.memory_space<hbm>> -> memref<40x256xf32, #tpu.memory_space<hbm>>
        %dma_start3A_143 = arith.constant 0 : i32
        %dma_start3A_144 = arith.constant 0 : i32
        %dma_start3A_145 = tpu.memref_slice %arg9[%run_scoped3A_130, %dma_start3A_143, %dma_start3A_144] : memref<2x40x256xf32, #tpu.memory_space<vmem>> -> memref<1x40x256xf32, #tpu.memory_space<vmem>>
        %dma_start3A_146 = tpu.memref_squeeze %dma_start3A_145 : memref<1x40x256xf32, #tpu.memory_space<vmem>> -> memref<40x256xf32, #tpu.memory_space<vmem>>
        tpu.enqueue_dma source(%dma_start3A_146 : memref<40x256xf32, #tpu.memory_space<vmem>>) target(%dma_start3A_142 : memref<40x256xf32, #tpu.memory_space<hbm>>) target_semaphore(%run_scoped3A_132 : memref<!tpu.dma_semaphore, #tpu.memory_space<semaphore_mem>>)
        %dma_wait3A_147 = arith.constant 0 : i32
        %dma_wait3A_148 = arith.constant 0 : i32
        %dma_wait3A_149 = tpu.memref_slice %arg9[%run_scoped3A_130, %dma_wait3A_147, %dma_wait3A_148] : memref<2x40x256xf32, #tpu.memory_space<vmem>> -> memref<1x40x256xf32, #tpu.memory_space<vmem>>
        %dma_wait3A_150 = tpu.memref_squeeze %dma_wait3A_149 : memref<1x40x256xf32, #tpu.memory_space<vmem>> -> memref<40x256xf32, #tpu.memory_space<vmem>>
        %dma_wait3A_151 = arith.constant 0 : i32
        %dma_wait3A_152 = tpu.memref_slice %arg5[%run_scoped3A_131, %add3A_101, %dma_wait3A_151] : memref<2x51200x256xf32, #tpu.memory_space<hbm>> -> memref<1x40x256xf32, #tpu.memory_space<hbm>>
        %dma_wait3A_153 = tpu.memref_squeeze %dma_wait3A_152 : memref<1x40x256xf32, #tpu.memory_space<hbm>> -> memref<40x256xf32, #tpu.memory_space<hbm>>
        %dma_wait3A_154 = arith.constant 0 : i32
        %dma_wait3A_155 = tpu.memref_slice %arg5[%run_scoped3A_131, %add3A_101, %dma_wait3A_154] : memref<2x51200x256xf32, #tpu.memory_space<hbm>> -> memref<1x40x256xf32, #tpu.memory_space<hbm>>
        %dma_wait3A_156 = tpu.memref_squeeze %dma_wait3A_155 : memref<1x40x256xf32, #tpu.memory_space<hbm>> -> memref<40x256xf32, #tpu.memory_space<hbm>>
        %dma_wait3A_157 = arith.constant 0 : i32
        %dma_wait3A_158 = arith.constant 0 : i32
        %dma_wait3A_159 = tpu.memref_slice %arg9[%run_scoped3A_130, %dma_wait3A_157, %dma_wait3A_158] : memref<2x40x256xf32, #tpu.memory_space<vmem>> -> memref<1x40x256xf32, #tpu.memory_space<vmem>>
        %dma_wait3A_160 = tpu.memref_squeeze %dma_wait3A_159 : memref<1x40x256xf32, #tpu.memory_space<vmem>> -> memref<40x256xf32, #tpu.memory_space<vmem>>
        tpu.wait_dma2 semaphore(%run_scoped3A_132 : memref<!tpu.dma_semaphore, #tpu.memory_space<semaphore_mem>>) src(%dma_wait3A_160 : memref<40x256xf32, #tpu.memory_space<vmem>>) dst(%dma_wait3A_156 : memref<40x256xf32, #tpu.memory_space<hbm>>)
        tpu.yield
      }) : () -> ()
    }
    %scan3A_32 = arith.constant 20 : i32
    return
  }
}

module attributes {stable_mosaic.version = 14 : i64} {
  func.func @_pad_body(%arg0: i32, %arg1: memref<300x2048xf32, #tpu.memory_space<vmem>>, %arg2: memref<2048x256xf32, #tpu.memory_space<vmem>>) attributes {dimension_semantics = [#tpu.dimension_semantics<arbitrary>], iteration_bounds = array<i64: 49>, scalar_prefetch = 0 : i64, scratch_operands = 0 : i64, tpu.core_type = #tpu.core_type<tc>, window_params = [{transform_indices = @transform_0, window_bounds = array<i64: 300, 2048>}, {transform_indices = @transform_1, window_bounds = array<i64: 2048, 256>}]} {
    %get3A = arith.constant 0 : index
    %get3A_0 = arith.constant 0 : index
    %get3A_1 = vector.load %arg1[%get3A, %get3A_0] : memref<300x2048xf32, #tpu.memory_space<vmem>>, vector<300x2048xf32>
    %convert_element_type3A = arith.truncf %get3A_1 : vector<300x2048xf32> to vector<300x2048xbf16>
    %transpose3A = tpu.transpose %convert_element_type3A, [1, 0] : vector<300x2048xbf16> -> vector<2048x300xbf16>
    %broadcast_in_dim3A = arith.constant 0.000000e+00 : bf16
    %broadcast_in_dim3A_2 = vector.broadcast %broadcast_in_dim3A : bf16 to vector<2048x212xbf16>
    %concatenate3A = tpu.concatenate %transpose3A, %broadcast_in_dim3A_2 in 1 : vector<2048x300xbf16>, vector<2048x212xbf16> -> vector<2048x512xbf16>
    %slice3A = vector.extract_strided_slice %concatenate3A {offsets = [0, 0], sizes = [2048, 256], strides = [1, 1]} : vector<2048x512xbf16> to vector<2048x256xbf16>
    %bitcast_convert_type3A = tpu.bitcast %slice3A : vector<2048x256xbf16> -> vector<2048x256xi16>
    %slice3A_3 = vector.extract_strided_slice %concatenate3A {offsets = [0, 256], sizes = [2048, 256], strides = [1, 1]} : vector<2048x512xbf16> to vector<2048x256xbf16>
    %bitcast_convert_type3A_4 = tpu.bitcast %slice3A_3 : vector<2048x256xbf16> -> vector<2048x256xi16>
    %convert_element_type3A_5 = arith.extui %bitcast_convert_type3A : vector<2048x256xi16> to vector<2048x256xi32>
    %convert_element_type3A_6 = arith.extui %bitcast_convert_type3A_4 : vector<2048x256xi16> to vector<2048x256xi32>
    %shift_left3A = arith.constant 16 : i32
    %shift_left3A_7 = vector.broadcast %shift_left3A : i32 to vector<2048x256xi32>
    %shift_left3A_8 = arith.shli %convert_element_type3A_6, %shift_left3A_7 : vector<2048x256xi32>
    %or3A = arith.ori %convert_element_type3A_5, %shift_left3A_8 : vector<2048x256xi32>
    %bitcast_convert_type3A_9 = tpu.bitcast %or3A : vector<2048x256xi32> -> vector<2048x256xf32>
    %swap3A = arith.constant 0 : index
    %swap3A_10 = arith.constant 0 : index
    %swap3A_11 = vector.load %arg2[%swap3A, %swap3A_10] : memref<2048x256xf32, #tpu.memory_space<vmem>>, vector<2048x256xf32>
    tpu.vector_store %arg2[%swap3A, %swap3A_10], %bitcast_convert_type3A_9 {strides = array<i32>} : memref<2048x256xf32, #tpu.memory_space<vmem>>, vector<2048x256xf32>,
    return
  }
  func.func @transform_0(%arg0: i32) -> (i32, i32) {
    %c0_i32 = arith.constant 0 : i32
    %c0_i32_0 = arith.constant 0 : i32
    return %c0_i32, %arg0 : i32, i32
  }
  func.func @transform_1(%arg0: i32) -> (i32, i32) {
    %c0_i32 = arith.constant 0 : i32
    %c0_i32_0 = arith.constant 0 : i32
    return %arg0, %c0_i32 : i32, i32
  }
}

module attributes {stable_mosaic.version = 14 : i64} {
  func.func @_mm_body(%arg0: i32, %arg1: memref<2x1024x256xf32, #tpu.memory_space<vmem>>, %arg2: memref<1x1024x256xf32, #tpu.memory_space<vmem>>, %arg3: memref<900x1536xbf16, #tpu.memory_space<vmem>>, %arg4: memref<900x1xf32, #tpu.memory_space<vmem>>, %arg5: memref<1x900x8x128xf32, #tpu.memory_space<vmem>>) attributes {dimension_semantics = [#tpu.dimension_semantics<arbitrary>], iteration_bounds = array<i64: 50>, scalar_prefetch = 0 : i64, scratch_operands = 0 : i64, tpu.core_type = #tpu.core_type<tc>, window_params = [{transform_indices = @transform_0, window_bounds = array<i64: 2, 1024, 256>}, {transform_indices = @transform_1, window_bounds = array<i64: 1, 1024, 256>}, {pipeline_mode = #tpu.pipeline_mode<synchronous>, transform_indices = @transform_2, window_bounds = array<i64: 900, 1536>}, {pipeline_mode = #tpu.pipeline_mode<synchronous>, transform_indices = @transform_3, window_bounds = array<i64: 900, 1>}, {transform_indices = @transform_4, window_bounds = array<i64: 1, 900, 8, 128>}]} {
    %get3A = arith.constant 0 : index
    %get3A_0 = arith.constant 0 : index
    %get3A_1 = vector.load %arg3[%get3A, %get3A_0] : memref<900x1536xbf16, #tpu.memory_space<vmem>>, vector<900x1536xbf16>
    %get3A_2 = arith.constant 0 : index
    %get3A_3 = arith.constant 0 : index
    %get3A_4 = arith.constant 0 : index
    %get3A_5 = vector.load %arg1[%get3A_2, %get3A_3, %get3A_4] : memref<2x1024x256xf32, #tpu.memory_space<vmem>>, vector<1x1024x256xf32>
    %get3A_6 = vector.shape_cast %get3A_5 : vector<1x1024x256xf32> to vector<1024x256xf32>
    %get3A_7 = arith.constant 0 : index
    %get3A_8 = arith.constant 0 : index
    %get3A_9 = arith.constant 0 : index
    %get3A_10 = vector.load %arg2[%get3A_7, %get3A_8, %get3A_9] : memref<1x1024x256xf32, #tpu.memory_space<vmem>>, vector<1x1024x256xf32>
    %get3A_11 = vector.shape_cast %get3A_10 : vector<1x1024x256xf32> to vector<1024x256xf32>
    %get3A_12 = arith.constant 1 : index
    %get3A_13 = arith.constant 0 : index
    %get3A_14 = arith.constant 0 : index
    %get3A_15 = vector.load %arg1[%get3A_12, %get3A_13, %get3A_14] : memref<2x1024x256xf32, #tpu.memory_space<vmem>>, vector<1x1024x256xf32>
    %get3A_16 = vector.shape_cast %get3A_15 : vector<1x1024x256xf32> to vector<1024x256xf32>
    %bitcast_convert_type3A = tpu.bitcast %get3A_6 : vector<1024x256xf32> -> vector<1024x256xi32>
    %convert_element_type3A = arith.trunci %bitcast_convert_type3A : vector<1024x256xi32> to vector<1024x256xi16>
    %bitcast_convert_type3A_17 = tpu.bitcast %convert_element_type3A : vector<1024x256xi16> -> vector<1024x256xbf16>
    %shift_right_logical3A = arith.constant 16 : i32
    %shift_right_logical3A_18 = vector.broadcast %shift_right_logical3A : i32 to vector<1024x256xi32>
    %shift_right_logical3A_19 = arith.shrui %bitcast_convert_type3A, %shift_right_logical3A_18 : vector<1024x256xi32>
    %convert_element_type3A_20 = arith.trunci %shift_right_logical3A_19 : vector<1024x256xi32> to vector<1024x256xi16>
    %bitcast_convert_type3A_21 = tpu.bitcast %convert_element_type3A_20 : vector<1024x256xi16> -> vector<1024x256xbf16>
    %slice3A = vector.extract_strided_slice %get3A_1 {offsets = [0, 0], sizes = [900, 256], strides = [1, 1]} : vector<900x1536xbf16> to vector<900x256xbf16>
    %dot_general3A = arith.constant dense<0.000000e+00> : vector<900x1024xf32>
    %dot_general3A_22 = tpu.matmul %slice3A, %bitcast_convert_type3A_17, %dot_general3A {dimension_numbers = #tpu.dot_dimension_numbers<[1], [1], [0], [0], [0, 0, 1, 0], [], []>, transpose_lhs_hint = false} : vector<900x256xbf16>, vector<1024x256xbf16>, vector<900x1024xf32> -> vector<900x1024xf32>
    %slice3A_23 = vector.extract_strided_slice %get3A_1 {offsets = [0, 256], sizes = [900, 256], strides = [1, 1]} : vector<900x1536xbf16> to vector<900x256xbf16>
    %dot_general3A_24 = arith.constant dense<0.000000e+00> : vector<900x1024xf32>
    %dot_general3A_25 = tpu.matmul %slice3A_23, %bitcast_convert_type3A_21, %dot_general3A_24 {dimension_numbers = #tpu.dot_dimension_numbers<[1], [1], [0], [0], [0, 0, 1, 0], [], []>, transpose_lhs_hint = false} : vector<900x256xbf16>, vector<1024x256xbf16>, vector<900x1024xf32> -> vector<900x1024xf32>
    %add3A = arith.addf %dot_general3A_22, %dot_general3A_25 : vector<900x1024xf32>
    %bitcast_convert_type3A_26 = tpu.bitcast %get3A_11 : vector<1024x256xf32> -> vector<1024x256xi32>
    %convert_element_type3A_27 = arith.trunci %bitcast_convert_type3A_26 : vector<1024x256xi32> to vector<1024x256xi16>
    %bitcast_convert_type3A_28 = tpu.bitcast %convert_element_type3A_27 : vector<1024x256xi16> -> vector<1024x256xbf16>
    %shift_right_logical3A_29 = arith.constant 16 : i32
    %shift_right_logical3A_30 = vector.broadcast %shift_right_logical3A_29 : i32 to vector<1024x256xi32>
    %shift_right_logical3A_31 = arith.shrui %bitcast_convert_type3A_26, %shift_right_logical3A_30 : vector<1024x256xi32>
    %convert_element_type3A_32 = arith.trunci %shift_right_logical3A_31 : vector<1024x256xi32> to vector<1024x256xi16>
    %bitcast_convert_type3A_33 = tpu.bitcast %convert_element_type3A_32 : vector<1024x256xi16> -> vector<1024x256xbf16>
    %slice3A_34 = vector.extract_strided_slice %get3A_1 {offsets = [0, 512], sizes = [900, 256], strides = [1, 1]} : vector<900x1536xbf16> to vector<900x256xbf16>
    %dot_general3A_35 = arith.constant dense<0.000000e+00> : vector<900x1024xf32>
    %dot_general3A_36 = tpu.matmul %slice3A_34, %bitcast_convert_type3A_28, %dot_general3A_35 {dimension_numbers = #tpu.dot_dimension_numbers<[1], [1], [0], [0], [0, 0, 1, 0], [], []>, transpose_lhs_hint = false} : vector<900x256xbf16>, vector<1024x256xbf16>, vector<900x1024xf32> -> vector<900x1024xf32>
    %slice3A_37 = vector.extract_strided_slice %get3A_1 {offsets = [0, 768], sizes = [900, 256], strides = [1, 1]} : vector<900x1536xbf16> to vector<900x256xbf16>
    %dot_general3A_38 = arith.constant dense<0.000000e+00> : vector<900x1024xf32>
    %dot_general3A_39 = tpu.matmul %slice3A_37, %bitcast_convert_type3A_33, %dot_general3A_38 {dimension_numbers = #tpu.dot_dimension_numbers<[1], [1], [0], [0], [0, 0, 1, 0], [], []>, transpose_lhs_hint = false} : vector<900x256xbf16>, vector<1024x256xbf16>, vector<900x1024xf32> -> vector<900x1024xf32>
    %add3A_40 = arith.addf %dot_general3A_36, %dot_general3A_39 : vector<900x1024xf32>
    %add3A_41 = arith.addf %add3A, %add3A_40 : vector<900x1024xf32>
    %bitcast_convert_type3A_42 = tpu.bitcast %get3A_16 : vector<1024x256xf32> -> vector<1024x256xi32>
    %convert_element_type3A_43 = arith.trunci %bitcast_convert_type3A_42 : vector<1024x256xi32> to vector<1024x256xi16>
    %bitcast_convert_type3A_44 = tpu.bitcast %convert_element_type3A_43 : vector<1024x256xi16> -> vector<1024x256xbf16>
    %shift_right_logical3A_45 = arith.constant 16 : i32
    %shift_right_logical3A_46 = vector.broadcast %shift_right_logical3A_45 : i32 to vector<1024x256xi32>
    %shift_right_logical3A_47 = arith.shrui %bitcast_convert_type3A_42, %shift_right_logical3A_46 : vector<1024x256xi32>
    %convert_element_type3A_48 = arith.trunci %shift_right_logical3A_47 : vector<1024x256xi32> to vector<1024x256xi16>
    %bitcast_convert_type3A_49 = tpu.bitcast %convert_element_type3A_48 : vector<1024x256xi16> -> vector<1024x256xbf16>
    %slice3A_50 = vector.extract_strided_slice %get3A_1 {offsets = [0, 1024], sizes = [900, 256], strides = [1, 1]} : vector<900x1536xbf16> to vector<900x256xbf16>
    %dot_general3A_51 = arith.constant dense<0.000000e+00> : vector<900x1024xf32>
    %dot_general3A_52 = tpu.matmul %slice3A_50, %bitcast_convert_type3A_44, %dot_general3A_51 {dimension_numbers = #tpu.dot_dimension_numbers<[1], [1], [0], [0], [0, 0, 1, 0], [], []>, transpose_lhs_hint = false} : vector<900x256xbf16>, vector<1024x256xbf16>, vector<900x1024xf32> -> vector<900x1024xf32>
    %slice3A_53 = vector.extract_strided_slice %get3A_1 {offsets = [0, 1280], sizes = [900, 256], strides = [1, 1]} : vector<900x1536xbf16> to vector<900x256xbf16>
    %dot_general3A_54 = arith.constant dense<0.000000e+00> : vector<900x1024xf32>
    %dot_general3A_55 = tpu.matmul %slice3A_53, %bitcast_convert_type3A_49, %dot_general3A_54 {dimension_numbers = #tpu.dot_dimension_numbers<[1], [1], [0], [0], [0, 0, 1, 0], [], []>, transpose_lhs_hint = false} : vector<900x256xbf16>, vector<1024x256xbf16>, vector<900x1024xf32> -> vector<900x1024xf32>
    %add3A_56 = arith.addf %dot_general3A_52, %dot_general3A_55 : vector<900x1024xf32>
    %add3A_57 = arith.addf %add3A_41, %add3A_56 : vector<900x1024xf32>
    %get3A_58 = arith.constant 0 : index
    %get3A_59 = arith.constant 0 : index
    %get3A_60 = vector.load %arg4[%get3A_58, %get3A_59] : memref<900x1xf32, #tpu.memory_space<vmem>>, vector<900x1xf32>
    %add3A_61 = vector.broadcast %get3A_60 : vector<900x1xf32> to vector<900x1024xf32>
    %add3A_62 = arith.addf %add3A_57, %add3A_61 : vector<900x1024xf32>
    %reshape3A = vector.shape_cast %add3A_62 : vector<900x1024xf32> to vector<1x900x8x128xf32>
    %swap3A = arith.constant 0 : index
    %swap3A_63 = arith.constant 0 : index
    %swap3A_64 = arith.constant 0 : index
    %swap3A_65 = arith.constant 0 : index
    %swap3A_66 = vector.load %arg5[%swap3A, %swap3A_63, %swap3A_64, %swap3A_65] : memref<1x900x8x128xf32, #tpu.memory_space<vmem>>, vector<1x900x8x128xf32>
    tpu.vector_store %arg5[%swap3A, %swap3A_63, %swap3A_64, %swap3A_65], %reshape3A {strides = array<i32>} : memref<1x900x8x128xf32, #tpu.memory_space<vmem>>, vector<1x900x8x128xf32>,
    return
  }
  func.func @transform_0(%arg0: i32) -> (i32, i32, i32) {
    %c0_i32 = arith.constant 0 : i32
    %c0_i32_0 = arith.constant 0 : i32
    %c0_i32_1 = arith.constant 0 : i32
    return %c0_i32, %arg0, %c0_i32_0 : i32, i32, i32
  }
  func.func @transform_1(%arg0: i32) -> (i32, i32, i32) {
    %c0_i32 = arith.constant 0 : i32
    %c0_i32_0 = arith.constant 0 : i32
    %c0_i32_1 = arith.constant 0 : i32
    return %c0_i32, %arg0, %c0_i32_0 : i32, i32, i32
  }
  func.func @transform_2(%arg0: i32) -> (i32, i32) {
    %c0_i32 = arith.constant 0 : i32
    %c0_i32_0 = arith.constant 0 : i32
    %c0_i32_1 = arith.constant 0 : i32
    return %c0_i32, %c0_i32_0 : i32, i32
  }
  func.func @transform_3(%arg0: i32) -> (i32, i32) {
    %c0_i32 = arith.constant 0 : i32
    %c0_i32_0 = arith.constant 0 : i32
    %c0_i32_1 = arith.constant 0 : i32
    return %c0_i32, %c0_i32_0 : i32, i32
  }
  func.func @transform_4(%arg0: i32) -> (i32, i32, i32, i32) {
    %c0_i32 = arith.constant 0 : i32
    %c0_i32_0 = arith.constant 0 : i32
    %c0_i32_1 = arith.constant 0 : i32
    %c0_i32_2 = arith.constant 0 : i32
    return %arg0, %c0_i32, %c0_i32_0, %c0_i32_1 : i32, i32, i32, i32
  }
}

</mosaic_0001>

<sc_bundles>
// kernel: kernel.10.cloned.1.call-start
scs
__scs_entry_jumppad:
0x0: {  	(pc) =	sbr.rel $0x88, $3  }
0x1: {  	(tag) =	ssettag $0x0;
	lr =	simm.s32 $0x1  }
0x2: {  	[smem:$0x3F9C] =	sst lr;
	_ =	strace $0xD0000000  }
0x3: {  	_ = 	snop  }
0x4: {  	_ = 	snop  }
0x5: {  	_ = 	snop  }
0x6: {  	_ = 	snop  }
0x7: {  	_ = 	snop  }
__scs_overlays_trampoline_lowered:
0x8: {  	[smem:$0x3FAB] =	sst s0  }
0x9: {  	[smem:$0x3FAC] =	sst s1  }
0xa: {  	[smem:$0x3FAD] =	sst s2  }
0xb: {  	[smem:$0x3FAE] =	sst s3  }
0xc: {  	[smem:$0x3FAF] =	sst s4  }
0xd: {  	[smem:$0x3FB0] =	sst s5  }
0xe: {  	[smem:$0x3FB1] =	sst s6  }
0xf: {  	[smem:$0x3FB2] =	sst s7  }
0x10: {  	[smem:$0x3FB3] =	sst s8  }
0x11: {  	[smem:$0x3FB4] =	sst s9;
	s0 =	simm.s32 @!p0 $0x0  }
0x12: {  	s1 =	sld [smem:$0x3F9A];
	s0 =	simm.s32 @p0 $0x1  }
0x13: {  	[smem:$0x3FB5] =	sst s0;
	s0 =	simm.s32 @!p1 $0x0  }
0x14: {  	s2 =	sld [smem:$0x3F99];
	s0 =	simm.s32 @p1 $0x1  }
0x15: {  	[smem:$0x3FB6] =	sst s0;
	s0 =	simm.s32 @!p2 $0x0  }
0x16: {  	s3 =	sld [smem:$0x3FDB];
	s0 =	simm.s32 @p2 $0x1  }
0x17: {  	s4 =	simm.s32 $0x1BF5;
	[smem:$0x3FB8] =	sst s0  }
0x18: {  	s0 =	sld [smem:$0x3F9B];
	_ =	swait.ge [sflag:s4], $0x0  }
0x19: {  	s7 =	sld [smem:$0x3F9C]  }
0x1a: {  	s8 =	sadd.s32 $0xFFFFE003, lr  }
0x1b: {  	s9 =	sadd.s32 $0xFFFFFEF7, lr;
	s5 =	simm.s32 $0xFFFFFFFF;
	p2 =	slt.u32 s8, $0xFFFFF086  }
0x1c: {  	p1 =	slt.u32 s9, $0xF7A;
	s5 =	simm.s32 @!p2 $0x0  }
0x1d: {  	s5 =	simm.s32 @p1 $0x1;
	p0 =	seq.s32 s7, s2  }
0x1e: {  	s7 =	smul.u32 @!p0 $0xF7A, s2;
	p2 =	seq.s32 @!p0 s5, $0x0  }
0x1f: {  	s9 =	smul.u32 $0xF7A, s1;
	s8 =	simm.s32 @!p0 $0x1BF5;
	p2 =	por !p2, p0  }
0x20: {  	[sflag:s8] =	ssyncset.s32 @!p0 $0xFFFFF086;
	s6 =	sadd.s32 @!p0 s3, s7;
	s7 =	simm.s32 @!p0 $0x108  }
0x21: {  	s3 =	sadd.s32 s3, s9;
	s6 =	sadd.s32 @!p0 $0x88, s6;
	s7 =	simm.s32 @p2 $0x1082  }
0x22: {  	[simem:s7], [sflag:s8] =	dma.local @!p0 [hbm:s6], $0xF7A  }
0x23: {  	s9 =	sor.u32 $0xD0000000, s2;
	s6 =	simm.s32 $0x108;
	_ =	swait.ge @!p0 [sflag:s8], $0x0  }
0x24: {  	s3 =	sadd.s32 $0x88, s3;
	s6 =	simm.s32 @!p1 $0x1082;
	[sflag:s4] =	ssyncset.s32 $0xFFFFF086  }
0x25: {  	[simem:s6], [sflag:s4] =	dma.local [hbm:s3], $0xF7A  }
0x26: {  	[smem:$0x3F9C] =	sst s1;
	(tag) =	ssettag s2;
	_ =	strace s9  }
0x27: {  	s1 =	sld [smem:$0x3FAC]  }
0x28: {  	s2 =	sld [smem:$0x3FAD]  }
0x29: {  	s4 =	sld [smem:$0x3FAF]  }
0x2a: {  	p0 =	seq.s32 s5, $0x0;
	s5 =	sld [smem:$0x3FB0]  }
0x2b: {  	s6 =	sld [smem:$0x3FB1]  }
0x2c: {  	s7 =	sld [smem:$0x3FB2]  }
0x2d: {  	s3 =	simm.s32 $0x108;
	s8 =	sld [smem:$0x3FB3]  }
0x2e: {  	s3 =	simm.s32 @!p0 $0x1082;
	s9 =	sld [smem:$0x3FB4]  }
0x2f: {  	lr =	sadd.s32 s0, s3;
	s0 =	sld [smem:$0x3FAB]  }
0x30: {  	s3 =	sld [smem:$0x3FAE]  }
0x31: {  	[smem:$0x3FB7] =	sst s10  }
0x32: {  	s10 =	sld [smem:$0x3FB5];
	_ =	sdelay $0x3  }
0x33: {  	p0 =	seq.s32 s10, $0x1;
	s10 =	sld [smem:$0x3FB7];
	_ =	sdelay $0x3  }
0x34: {  	[smem:$0x3FB7] =	sst s10  }
0x35: {  	s10 =	sld [smem:$0x3FB6];
	_ =	sdelay $0x3  }
0x36: {  	p1 =	seq.s32 s10, $0x1;
	s10 =	sld [smem:$0x3FB7];
	_ =	sdelay $0x3  }
0x37: {  	[smem:$0x3FB7] =	sst s10  }
0x38: {  	s10 =	sld [smem:$0x3FB8]  }
0x39: {  	_ = 	snop;
	(pc) =	sbr.ind lr, $3  }
0x3a: {  	_ = 	snop  }
0x3b: {  	_ = 	snop  }
0x3c: {  	p2 =	seq.s32 s10, $0x1;
	s10 =	sld [smem:$0x3FB7]  }
0x3d: {  	_ =	shalt  }
0x3e: {  	_ =	shalt  }
0x3f: {  	_ =	shalt  }
0x40: {  	_ =	shalt  }
0x41: {  	_ =	shalt  }
0x42: {  	_ =	shalt  }
0x43: {  	_ =	shalt  }
0x44: {  	_ =	shalt  }
0x45: {  	_ =	shalt  }
0x46: {  	_ =	shalt  }
0x47: {  	_ =	shalt  }
0x48: {  	_ =	shalt  }
0x49: {  	_ =	shalt  }
0x4a: {  	_ =	shalt  }
0x4b: {  	_ =	shalt  }
0x4c: {  	_ =	shalt  }
0x4d: {  	_ =	shalt  }
0x4e: {  	_ =	shalt  }
0x4f: {  	_ =	shalt  }
0x50: {  	_ =	shalt  }
0x51: {  	_ =	shalt  }
0x52: {  	_ =	shalt  }
0x53: {  	_ =	shalt  }
0x54: {  	_ =	shalt  }
0x55: {  	_ =	shalt  }
0x56: {  	_ =	shalt  }
0x57: {  	_ =	shalt  }
0x58: {  	_ =	shalt  }
0x59: {  	_ =	shalt  }
0x5a: {  	_ =	shalt  }
0x5b: {  	_ =	shalt  }
0x5c: {  	_ =	shalt  }
0x5d: {  	_ =	shalt  }
0x5e: {  	_ =	shalt  }
0x5f: {  	_ =	shalt  }
0x60: {  	_ =	shalt  }
0x61: {  	_ =	shalt  }
0x62: {  	_ =	shalt  }
0x63: {  	_ =	shalt  }
0x64: {  	_ =	shalt  }
0x65: {  	_ =	shalt  }
0x66: {  	_ =	shalt  }
0x67: {  	_ =	shalt  }
0x68: {  	_ =	shalt  }
0x69: {  	_ =	shalt  }
0x6a: {  	_ =	shalt  }
0x6b: {  	_ =	shalt  }
0x6c: {  	_ =	shalt  }
0x6d: {  	_ =	shalt  }
0x6e: {  	_ =	shalt  }
0x6f: {  	_ =	shalt  }
0x70: {  	_ =	shalt  }
0x71: {  	_ =	shalt  }
0x72: {  	_ =	shalt  }
0x73: {  	_ =	shalt  }
0x74: {  	_ =	shalt  }
0x75: {  	_ =	shalt  }
0x76: {  	_ =	shalt  }
0x77: {  	_ =	shalt  }
0x78: {  	_ =	shalt  }
0x79: {  	_ =	shalt  }
0x7a: {  	_ =	shalt  }
0x7b: {  	_ =	shalt  }
0x7c: {  	_ =	shalt  }
0x7d: {  	_ =	shalt  }
0x7e: {  	_ =	shalt  }
0x7f: {  	_ =	shalt  }
0x80: {  	_ =	shalt  }
0x81: {  	_ =	shalt  }
0x82: {  	_ =	shalt  }
0x83: {  	_ =	shalt  }
0x84: {  	_ =	shalt  }
0x85: {  	_ =	shalt  }
0x86: {  	_ =	shalt  }
0x87: {  	_ =	shalt  }
.Lfunc_end0:
.L_simem_size_0:
called_computation.1_lowered:
.L_overlay_start_0:
0x88: {  	s2 =	sld [smem:$0x3FD9]  }
0x89: {  	s3 =	sld [smem:$0x3FFE];
	_ =	sdelay $0x1  }
0x8a: {  	s1 =	srdreg.scid  }
0x8b: {  	s0 =	sand.u32 $0x1, s1  }
0x8c: {  	s16 =	sshll.u32 s0, $0xA;
	s2 =	sadd.s32 s3, s2  }
0x8d: {  	s2 =	sadd.s32 s2, s16  }
0x8e: {  	[smem:$0x3FC3] =	sst s2  }
0x8f: {  	_ = 	snop  }
0x90: {  	(tm) =	ssettm $0x1  }
0x91: {  	s17 =	sld [smem:$0x3FFB];
	_ =	sdelay $0x3  }
0x92: {  	_ =	strace s17  }
0x93: {  	s2 =	sld [smem:$0x3FFC];
	_ =	sdelay $0x3  }
0x94: {  	_ =	strace s2  }
0x95: {  	s2 =	sld [smem:$0x3FFD];
	_ =	sdelay $0x3  }
0x96: {  	_ =	strace s2  }
0x97: {  	_ =	strace $0x8FFFFFFF  }
0x98: {  	s18 =	sld [smem:$0x3FDB];
	_ =	sdelay $0x1  }
0x99: {  	s19 =	simm.s32 $_scs_section_size  }
0x9a: {  	s4 =	simm.s32 $_size__tile_overlayer_lowered;
	s5 =	simm.s32 $_tile_overlayer_lowered  }
0x9b: {  	s22 =	simm.s32 $0x1BFF;
	s21 =	sshll.u32 s5, $0x1;
	s2 =	sadd.s32 s19, s18  }
0x9c: {  	s6 =	simm.s32 $0x0;
	s20 =	sshll.u32 s4, $0x1;
	s4 =	sadd.s32 s21, s2  }
0x9d: {  	[timem:s6], [sflag:s22] =	dma.local [hbm:s4], s20  }
0x9e: {  	_ =	swait.ge [sflag:s22], s20  }
0x9f: {  	s3 =	ssub.s32 $0x0, s20;
	[sflag:s22] =	ssyncset.done $0x0  }
0xa0: {  	[sflag:s22] =	ssyncadd.s32 s3;
	_ =	sdelay $0x1  }
0xa1: {  	s23 =	simm.s32 $0x1B8B  }
0xa2: {  	_ =	swait.ge [sflag:s23], $0x1  }
0xa3: {  	[sflag:s23] =	ssyncset.done $0x0  }
0xa4: {  	s25 =	simm.s32 $0x1B8E;
	s24 =	sld [smem:$0x3FFE];
	[sflag:s23] =	ssyncadd.s32 $0xFFFFFFFF  }
0xa5: {  	s26 =	simm.s32 $execute0_lowered;
	[smem:$0x3FD2] =	sst s25  }
0xa6: {  	s4 =	sshll.u32 s26, $0x1;
	_ =	strace $0x80000046;
	[dreg:$0x1] =	wrdreg $0xFFFFFFFF  }
0xa7: {  	s28 =	simm.s32 $_size_execute0_lowered;
	s2 =	sadd.s32 s2, s4;
	[dreg:$0x0] =	wrdreg $0x0  }
0xa8: {  	s4 =	sshll.u32 s28, $0x1;
	[dreg:$0x2] =	wrdreg s2  }
0xa9: {  	[dreg:$0x3] =	wrdreg s4  }
0xaa: {  	[dreg:$0x4] =	wrdreg $0xC0  }
0xab: {  	_ =	task [dreg:s6], $0x5FFFF  }
0xac: {  	[dreg:$0x1] =	wrdreg $0xFFFFFFFF  }
0xad: {  	[dreg:$0x0] =	wrdreg $0x60  }
0xae: {  	[dreg:$0x2] =	wrdreg s24  }
0xaf: {  	[dreg:$0x3] =	wrdreg $0xA  }
0xb0: {  	_ =	task.clear_ibuf [dreg:s6], $0x4FFFF;
	_ =	strace $0x90000046  }
0xb1: {  	s29 =	simm.s32 $0xA;
	_ =	strace $0x80000048  }
0xb2: {  	_ =	swait.ge [sflag:s29], $0x1  }
0xb3: {  	[sflag:s29] =	ssyncadd.s32 $0xFFFFFFFF  }
0xb4: {  	_ =	strace $0x90000048  }
0xb5: {  	_ =	sfence  }
0xb6: {  	s30 =	sld [smem:$0x0];
	_ =	sdelay $0x2  }
0xb7: {  	s31 =	sshll.u32 s1, $0xD;
	s1 =	sshrl.u32 s1, $0x2  }
0xb8: {  	s3 =	sand.u32 $0x4000, s31;
	s1 =	sadd.s32 s1, s30  }
0xb9: {  	s0 =	sor.u32 s3, s0;
	s1 =	sshll.u32 s1, $0x11  }
0xba: {  	s0 =	sor.u32 s1, s0  }
0xbb: {  	s0 =	sadd.s32 $0x8F2B, s0  }
0xbc: {  	[sflag:s0] =	ssyncadd.remote.s32 $0x1  }
0xbd: {  	_ =	sfence.sel $0xFFFF  }
0xbe: {  	[dreg:$0x0] =	wrdreg $0xFFFFFFFF;
	(pc) =	sbr.abs _section_cstart, $3  }
0xbf: {  	[dreg:$0x1] =	wrdreg $0xFFFFFFFF  }
0xc0: {  	_ =	task.clear_ibuf [dreg:s6], $0x2FFFF;
	_ =	strace $0x9FFFFFFF  }
0xc1: {  	(tm) =	ssettm $0x7FFFFFFF  }
tec
execute0_lowered:
.L_overlay_start_1:
0x0: {  	(tag) =	ssettag $0x1  }
0x1: {  	s1 =	srdreg.scid;
	s0 =	stileid.u32  }
0x2: {  	s4 =	rddreg [dreg:$0x0];
	s2 =	simm.s32 $0x0;
	s10 =	simm.s32 $0x1680  }
0x3: {  	s11 =	simm.s32 $0x1E80;
	s12 =	simm.s32 $0x2680;
	s13 =	simm.s32 $0x2E80  }
0x4: {  	s14 =	simm.s32 $0x3680;
	s15 =	simm.s32 $0x3E80;
	s16 =	simm.s32 $0x4680  }
0x5: {  	s17 =	simm.s32 $0x4E80;
	s18 =	simm.s32 $0x1;
	s19 =	simm.s32 $0x2  }
0x6: {  	s20 =	simm.s32 $0x0;
	s3 =	sand.u32 $0x1, s1;
	s1 =	rddreg [dreg:$0x1]  }
0x7: {  	s5 =	sshll.u32 s0, $0x1;
	[smem:$0x7FF] =	sst s2;
	s6 =	smul.u32 $0x19000, s0  }
0x8: {  	s5 =	sor.u32 s3, s5;
	s7 =	ssub.s32 $0x2, s3;
	s9 =	smul.u32 $0xC800, s3  }
0x9: {  	_ =	strace $0x80000047;
	s5 =	smul.u32 $0x640, s5;
	s8 =	sshrl.u32 s7, $0x1  }
0xa: {  	s3 =	sadd.s32 $0x4800, s4;
	s6 =	sadd.s32 s6, s4;
	s7 =	ssub.s32 s7, s8  }
0xb: {  	v2 =	vlaneseq.u32;
	s6 =	sadd.s32 s9, s6;
	s8 =	simm.s32 $0x680;
	s5 =	sshrl.u32 s5, $0x3  }
0xc: {  	vm0 =	vmmov $0xffff;
	v1 =	vshrl.u32 v2, $0x3;
	s9 =	simm.s32 $0xE80;
	s6 =	sadd.s32 $0x311C00, s6;
	s5 =	sadd.s32 s5, s4  }
0xd: {  	v0 =	vand.u32 $0x7, v2;
	v2 =	vor.u32 $0x8, v2;
	v1 =	vmul.u32 $0x8, v1;
	s4 =	sadd.s32 $0x2E00, s5;
	s5 =	smax.u32 s7, $0x1;
	s7 =	simm.s32 $0x3  }
.LBB2_1:
0xe: {  	[tilespmem:s2], [sflag:$0x3] =	stream.linear.gather [hbm4b:s4+s2], $0x640, $0x38;
	[tilespmem:$0x5680] =	vst v63  }
0xf: {  	_ =	swait.ge [sflag:s7], $0x640  }
0x10: {  	[sflag:s7] =	ssyncset.done $0x0  }
0x11: {  	[sflag:s7] =	ssyncadd.s32 $0xFFFFF9C0  }
0x12: {  	v3 =	vld [tilespmem:$0x0];
	_ =	sdelay $0x4  }
0x13: {  	v4 =	vshll.u32 v3, $0x1  }
0x14: {  	v3 =	vand.u32 $0x7, v3;
	v4 =	vand.u32 $0xFFFFFFF0, v4  }
0x15: {  	v3 =	vor.u32 v3, v4  }
0x16: {  	v4 =	vperm.xlane v3, v0;
	_ =	sdelay $0x1  }
0x17: {  	v3 =	vperm.xlane v3, v2;
	v4 =	vadd.s32 v1, v4;
	_ =	sdelay $0x1  }
0x18: {  	v3 =	vadd.s32 v1, v3;
	_ =	sdelay $0x2  }
0x19: {  	[tilespmem:s8], [sflag:$0x1] =	stream.indirect_vreg.gather [hbm4b:s3+s2], $0x80, v4, vm0, $0xb8;
	[tilespmem:$0x5680] =	vst v63  }
0x1a: {  	_ = 	snop  }
0x1b: {  	[tilespmem:s9], [sflag:$0x1] =	stream.indirect_vreg.gather [hbm4b:s3+s2], $0x80, v3, vm0, $0xb8;
	[tilespmem:$0x5680] =	vst v63  }
0x1c: {  	v3 =	vld [tilespmem:$0x10];
	_ =	sdelay $0x4  }
0x1d: {  	v62 =	vshll.u32 v3, $0x1  }
0x1e: {  	v3 =	vand.u32 $0x7, v3;
	v4 =	vand.u32 $0xFFFFFFF0, v62  }
0x1f: {  	v3 =	vor.u32 v3, v4  }
0x20: {  	v4 =	vperm.xlane v3, v0;
	_ =	sdelay $0x1  }
0x21: {  	v3 =	vperm.xlane v3, v2;
	v4 =	vadd.s32 v1, v4;
	_ =	sdelay $0x1  }
0x22: {  	v3 =	vadd.s32 v1, v3;
	_ =	sdelay $0x2  }
0x23: {  	[tilespmem:s10], [sflag:$0x1] =	stream.indirect_vreg.gather [hbm4b:s3+s2], $0x80, v4, vm0, $0xb8;
	[tilespmem:$0x5680] =	vst v63  }
0x24: {  	_ = 	snop  }
0x25: {  	[tilespmem:s11], [sflag:$0x1] =	stream.indirect_vreg.gather [hbm4b:s3+s2], $0x80, v3, vm0, $0xb8;
	[tilespmem:$0x5680] =	vst v63  }
0x26: {  	v3 =	vld.msk [tilespmem:$0x20], $0xff;
	_ =	sdelay $0x4  }
0x27: {  	v63 =	vshll.u32 v3, $0x1  }
0x28: {  	v3 =	vand.u32 $0x7, v3;
	v4 =	vand.u32 $0xFFFFFFF0, v63  }
0x29: {  	v3 =	vor.u32 v3, v4  }
0x2a: {  	v3 =	vperm.xlane v3, v0;
	_ =	sdelay $0x1  }
0x2b: {  	v3 =	vadd.s32 v1, v3;
	_ =	sdelay $0x3  }
0x2c: {  	s21 =	simm.s32 $0x38;
	s22 =	simm.s32 $0x0  }
0x2d: {  	[tilespmem:s12], [sflag:$0x1] =	stream.indirect_vreg.gather [hbm4b:s3+s2], $0x80, v3, vm0, $0xb8;
	[tilespmem:$0x5680] =	vst v63  }
.LBB2_2:
0x2e: {  	v3 =	vld [tilespmem:s21+$0xFFFFFFF0];
	_ =	sdelay $0x4  }
0x2f: {  	v4 =	vshll.u32 v3, $0x1  }
0x30: {  	v3 =	vand.u32 $0x7, v3;
	v4 =	vand.u32 $0xFFFFFFF0, v4  }
0x31: {  	v3 =	vor.u32 v3, v4  }
0x32: {  	v4 =	vperm.xlane v3, v0;
	_ =	sdelay $0x1  }
0x33: {  	v3 =	vperm.xlane v3, v2;
	v4 =	vadd.s32 v1, v4;
	_ =	sdelay $0x1  }
0x34: {  	v3 =	vadd.s32 v1, v3;
	_ =	sdelay $0x2  }
0x35: {  	[tilespmem:s13], [sflag:$0x2] =	stream.indirect_vreg.gather [hbm4b:s3+s2], $0x80, v4, vm0, $0xb8;
	[tilespmem:$0x5680] =	vst v63  }
0x36: {  	_ = 	snop  }
0x37: {  	[tilespmem:s14], [sflag:$0x2] =	stream.indirect_vreg.gather [hbm4b:s3+s2], $0x80, v3, vm0, $0xb8;
	[tilespmem:$0x5680] =	vst v63  }
0x38: {  	v3 =	vld [tilespmem:s21+$0x0];
	_ =	sdelay $0x4  }
0x39: {  	v62 =	vshll.u32 v3, $0x1  }
0x3a: {  	v3 =	vand.u32 $0x7, v3;
	v4 =	vand.u32 $0xFFFFFFF0, v62  }
0x3b: {  	v3 =	vor.u32 v3, v4  }
0x3c: {  	v4 =	vperm.xlane v3, v0;
	_ =	sdelay $0x1  }
0x3d: {  	v3 =	vperm.xlane v3, v2;
	v4 =	vadd.s32 v1, v4;
	_ =	sdelay $0x1  }
0x3e: {  	v3 =	vadd.s32 v1, v3;
	_ =	sdelay $0x2  }
0x3f: {  	[tilespmem:s15], [sflag:$0x2] =	stream.indirect_vreg.gather [hbm4b:s3+s2], $0x80, v4, vm0, $0xb8;
	[tilespmem:$0x5680] =	vst v63  }
0x40: {  	_ = 	snop  }
0x41: {  	[tilespmem:s16], [sflag:$0x2] =	stream.indirect_vreg.gather [hbm4b:s3+s2], $0x80, v3, vm0, $0xb8;
	[tilespmem:$0x5680] =	vst v63  }
0x42: {  	v3 =	vld.msk [tilespmem:s21+$0x10], $0xff;
	_ =	sdelay $0x4  }
0x43: {  	v63 =	vshll.u32 v3, $0x1  }
0x44: {  	v3 =	vand.u32 $0x7, v3;
	v4 =	vand.u32 $0xFFFFFFF0, v63  }
0x45: {  	v3 =	vor.u32 v3, v4  }
0x46: {  	v3 =	vperm.xlane v3, v0;
	_ =	sdelay $0x1  }
0x47: {  	v3 =	vadd.s32 v1, v3;
	_ =	sdelay $0x4  }
0x48: {  	[tilespmem:s17], [sflag:$0x2] =	stream.indirect_vreg.gather [hbm4b:s3+s2], $0x80, v3, vm0, $0xb8;
	[tilespmem:$0x5680] =	vst v63  }
0x49: {  	_ =	swait.ge [sflag:s18], $0x2800  }
0x4a: {  	[sflag:s18] =	ssyncset.done $0x0  }
0x4b: {  	s23 =	sadd.s32 s22, s6;
	[sflag:s18] =	ssyncadd.s32 $0xFFFFD800  }
0x4c: {  	[hbm4b:s23+s2] =	stream.linear.scatter [tilespmem:s8], [sflag:$0x3], $0x2800, $0x38;
	[tilespmem:$0x5680] =	vst v63  }
0x4d: {  	_ =	swait.ge [sflag:s7], $0x2800  }
0x4e: {  	[sflag:s7] =	ssyncset.done $0x0  }
0x4f: {  	p0 =	seq.s32 s22, $0xBE00;
	[sflag:s7] =	ssyncadd.s32 $0xFFFFD800  }
0x50: {  	v3 =	vld @!p0 [tilespmem:s21+$0x18];
	_ =	sdelay $0x4  }
0x51: {  	v4 =	vshll.u32 @!p0 v3, $0x1  }
0x52: {  	v5 =	vlaneseq.u32 @!p0;
	v3 =	vand.u32 @!p0 $0x7, v3;
	v4 =	vand.u32 @!p0 $0xFFFFFFF0, v4  }
0x53: {  	v6 =	vshrl.u32 @!p0 v5, $0x3;
	v3 =	vor.u32 @!p0 v3, v4;
	v4 =	vand.u32 @!p0 $0x7, v5  }
0x54: {  	v6 =	vmul.u32 @!p0 $0x8, v6;
	v7 =	vperm.xlane @!p0 v3, v4  }
0x55: {  	v5 =	vor.u32 @!p0 $0x8, v5  }
0x56: {  	v3 =	vperm.xlane @!p0 v3, v5;
	v7 =	vadd.s32 @!p0 v6, v7;
	_ =	sdelay $0x1  }
0x57: {  	v3 =	vadd.s32 @!p0 v6, v3;
	_ =	sdelay $0x1  }
0x58: {  	vm1 =	vmmov @!p0 $0xffff;
	s24 =	simm.s32 @!p0 $0x0;
	s25 =	simm.s32 @!p0 $0x680  }
0x59: {  	[tilespmem:s25], [sflag:$0x1] =	stream.indirect_vreg.gather @!p0 [hbm4b:s3+s24], $0x80, v7, vm1, $0xb8;
	[tilespmem:$0x5680] =	vst v63  }
0x5a: {  	s25 =	simm.s32 @!p0 $0xE80  }
0x5b: {  	[tilespmem:s25], [sflag:$0x1] =	stream.indirect_vreg.gather @!p0 [hbm4b:s3+s24], $0x80, v3, vm1, $0xb8;
	[tilespmem:$0x5680] =	vst v63  }
0x5c: {  	v3 =	vld @!p0 [tilespmem:s21+$0x28];
	_ =	sdelay $0x4  }
0x5d: {  	v7 =	vshll.u32 @!p0 v3, $0x1  }
0x5e: {  	v3 =	vand.u32 @!p0 $0x7, v3;
	v7 =	vand.u32 @!p0 $0xFFFFFFF0, v7  }
0x5f: {  	v3 =	vor.u32 @!p0 v3, v7  }
0x60: {  	v7 =	vperm.xlane @!p0 v3, v4;
	_ =	sdelay $0x1  }
0x61: {  	v3 =	vperm.xlane @!p0 v3, v5;
	v7 =	vadd.s32 @!p0 v6, v7;
	_ =	sdelay $0x1  }
0x62: {  	v3 =	vadd.s32 @!p0 v6, v3;
	_ =	sdelay $0x1  }
0x63: {  	s25 =	simm.s32 @!p0 $0x1680  }
0x64: {  	[tilespmem:s25], [sflag:$0x1] =	stream.indirect_vreg.gather @!p0 [hbm4b:s3+s24], $0x80, v7, vm1, $0xb8;
	[tilespmem:$0x5680] =	vst v63  }
0x65: {  	s25 =	simm.s32 @!p0 $0x1E80  }
0x66: {  	[tilespmem:s25], [sflag:$0x1] =	stream.indirect_vreg.gather @!p0 [hbm4b:s3+s24], $0x80, v3, vm1, $0xb8;
	[tilespmem:$0x5680] =	vst v63  }
0x67: {  	v3 =	vld.msk @!p0 [tilespmem:s21+$0x38], $0xff;
	_ =	sdelay $0x4  }
0x68: {  	v5 =	vshll.u32 @!p0 v3, $0x1  }
0x69: {  	v3 =	vand.u32 @!p0 $0x7, v3;
	v5 =	vand.u32 @!p0 $0xFFFFFFF0, v5  }
0x6a: {  	v3 =	vor.u32 @!p0 v3, v5  }
0x6b: {  	v3 =	vperm.xlane @!p0 v3, v4;
	_ =	sdelay $0x1  }
0x6c: {  	v3 =	vadd.s32 @!p0 v6, v3;
	_ =	sdelay $0x3  }
0x6d: {  	s25 =	simm.s32 @!p0 $0x2680  }
0x6e: {  	[tilespmem:s25], [sflag:$0x1] =	stream.indirect_vreg.gather @!p0 [hbm4b:s3+s24], $0x80, v3, vm1, $0xb8;
	[tilespmem:$0x5680] =	vst v63  }
0x6f: {  	s22 =	sadd.s32 $0xA00, s22;
	_ =	swait.ge [sflag:s19], $0x2800  }
0x70: {  	p0 =	sne.s32 s22, $0xC800;
	[sflag:s19] =	ssyncset.done $0x0  }
.Ltmp0:
0x71: {  	s23 =	sadd.s32 $0x500, s23;
	[sflag:s19] =	ssyncadd.s32 $0xFFFFD800;
	(pc) =	sbr.rel @p0 .LBB2_2-.Ltmp0, $4  }
0x72: {  	[hbm4b:s23+s2] =	stream.linear.scatter [tilespmem:s13], [sflag:$0x3], $0x2800, $0x38;
	[tilespmem:$0x5680] =	vst v63  }
0x73: {  	_ =	swait.ge [sflag:s7], $0x2800  }
0x74: {  	[sflag:s7] =	ssyncset.done $0x0  }
0x75: {  	s21 =	sadd.s32 $0x50, s21;
	[sflag:s7] =	ssyncadd.s32 $0xFFFFD800  }
0x76: {  	s20 =	sadd.s32 $0x1, s20  }
0x77: {  	p0 =	sne.s32 s20, s5  }
.Ltmp1:
0x78: {  	_ = 	snop;
	(pc) =	sbr.rel @p0 .LBB2_1-.Ltmp1, $1  }
0x79: {  	_ =	sdelay $0x3  }
0x7a: {  	_ =	sfence.sel $0x180000  }
0x7b: {  	[bflag:$0x0] =	sbarrier.arrive $0xFFFF  }
0x7c: {  	p0 =	sne.s32 s0, $0x0;
	_ =	strace $0x90000047  }
0x7d: {  	s0 =	sadd.s32 @!p0 $0x100000, s1;
	[bflag:$0x2] =	sbarrier.arrive $0xFFFF  }
0x7e: {  	[sflag:s0] =	ssyncadd.tile.s32 @!p0 $0x1;
	_ =	shalt  }
.Lfunc_end2:
_tile_overlayer_lowered:
.L_overlay_start_2:
0x7f: {  	(tag) =	ssettag $0x2  }
0x80: {  	s0 =	rddreg [dreg:$0x0];
	s2 =	stileid.u32  }
0x81: {  	s1 =	rddreg [dreg:$0x1];
	p0 =	sne.s32 s2, $0x0  }
0x82: {  	s3 =	rddreg [dreg:$0x2];
	[bflag:$0x3] =	sbarrier.arrive $0xFFFF;
	s2 =	simm.s32 @!p0 $0x1C03  }
0x83: {  	[timem:s3], [sflag:s2] =	dma.local @!p0 [hbm:s0], s1  }
0x84: {  	s0 =	simm.s32 @!p0 $0x3  }
0x85: {  	_ =	swait.ge @!p0 [sflag:s0], s1  }
0x86: {  	s1 =	ssub.s32 @!p0 $0x0, s1;
	[sflag:s0] =	ssyncset.done @!p0 $0x0  }
0x87: {  	[sflag:s0] =	ssyncadd.s32 @!p0 s1  }
0x88: {  	[bflag:$0x3] =	sbarrier.arrive $0xFFFF  }
0x89: {  	_ =	shalt  }

// kernel: kernel.7.cloned.1.call-start
scs
__scs_entry_jumppad:
0x0: {  	(pc) =	sbr.rel $0x88, $3  }
0x1: {  	(tag) =	ssettag $0x0;
	lr =	simm.s32 $0x1  }
0x2: {  	[smem:$0x3F9C] =	sst lr;
	_ =	strace $0xD0000000  }
0x3: {  	_ = 	snop  }
0x4: {  	_ = 	snop  }
0x5: {  	_ = 	snop  }
0x6: {  	_ = 	snop  }
0x7: {  	_ = 	snop  }
__scs_overlays_trampoline_lowered:
0x8: {  	[smem:$0x3FAB] =	sst s0  }
0x9: {  	[smem:$0x3FAC] =	sst s1  }
0xa: {  	[smem:$0x3FAD] =	sst s2  }
0xb: {  	[smem:$0x3FAE] =	sst s3  }
0xc: {  	[smem:$0x3FAF] =	sst s4  }
0xd: {  	[smem:$0x3FB0] =	sst s5  }
0xe: {  	[smem:$0x3FB1] =	sst s6  }
0xf: {  	[smem:$0x3FB2] =	sst s7  }
0x10: {  	[smem:$0x3FB3] =	sst s8  }
0x11: {  	[smem:$0x3FB4] =	sst s9;
	s0 =	simm.s32 @!p0 $0x0  }
0x12: {  	s1 =	sld [smem:$0x3F9A];
	s0 =	simm.s32 @p0 $0x1  }
0x13: {  	[smem:$0x3FB5] =	sst s0;
	s0 =	simm.s32 @!p1 $0x0  }
0x14: {  	s2 =	sld [smem:$0x3F99];
	s0 =	simm.s32 @p1 $0x1  }
0x15: {  	[smem:$0x3FB6] =	sst s0;
	s0 =	simm.s32 @!p2 $0x0  }
0x16: {  	s3 =	sld [smem:$0x3FDB];
	s0 =	simm.s32 @p2 $0x1  }
0x17: {  	s4 =	simm.s32 $0x1BF5;
	[smem:$0x3FB8] =	sst s0  }
0x18: {  	s0 =	sld [smem:$0x3F9B];
	_ =	swait.ge [sflag:s4], $0x0  }
0x19: {  	s7 =	sld [smem:$0x3F9C]  }
0x1a: {  	s8 =	sadd.s32 $0xFFFFE003, lr  }
0x1b: {  	s9 =	sadd.s32 $0xFFFFFEF7, lr;
	s5 =	simm.s32 $0xFFFFFFFF;
	p2 =	slt.u32 s8, $0xFFFFF086  }
0x1c: {  	p1 =	slt.u32 s9, $0xF7A;
	s5 =	simm.s32 @!p2 $0x0  }
0x1d: {  	s5 =	simm.s32 @p1 $0x1;
	p0 =	seq.s32 s7, s2  }
0x1e: {  	s7 =	smul.u32 @!p0 $0xF7A, s2;
	p2 =	seq.s32 @!p0 s5, $0x0  }
0x1f: {  	s9 =	smul.u32 $0xF7A, s1;
	s8 =	simm.s32 @!p0 $0x1BF5;
	p2 =	por !p2, p0  }
0x20: {  	[sflag:s8] =	ssyncset.s32 @!p0 $0xFFFFF086;
	s6 =	sadd.s32 @!p0 s3, s7;
	s7 =	simm.s32 @!p0 $0x108  }
0x21: {  	s3 =	sadd.s32 s3, s9;
	s6 =	sadd.s32 @!p0 $0x88, s6;
	s7 =	simm.s32 @p2 $0x1082  }
0x22: {  	[simem:s7], [sflag:s8] =	dma.local @!p0 [hbm:s6], $0xF7A  }
0x23: {  	s9 =	sor.u32 $0xD0000000, s2;
	s6 =	simm.s32 $0x108;
	_ =	swait.ge @!p0 [sflag:s8], $0x0  }
0x24: {  	s3 =	sadd.s32 $0x88, s3;
	s6 =	simm.s32 @!p1 $0x1082;
	[sflag:s4] =	ssyncset.s32 $0xFFFFF086  }
0x25: {  	[simem:s6], [sflag:s4] =	dma.local [hbm:s3], $0xF7A  }
0x26: {  	[smem:$0x3F9C] =	sst s1;
	(tag) =	ssettag s2;
	_ =	strace s9  }
0x27: {  	s1 =	sld [smem:$0x3FAC]  }
0x28: {  	s2 =	sld [smem:$0x3FAD]  }
0x29: {  	s4 =	sld [smem:$0x3FAF]  }
0x2a: {  	p0 =	seq.s32 s5, $0x0;
	s5 =	sld [smem:$0x3FB0]  }
0x2b: {  	s6 =	sld [smem:$0x3FB1]  }
0x2c: {  	s7 =	sld [smem:$0x3FB2]  }
0x2d: {  	s3 =	simm.s32 $0x108;
	s8 =	sld [smem:$0x3FB3]  }
0x2e: {  	s3 =	simm.s32 @!p0 $0x1082;
	s9 =	sld [smem:$0x3FB4]  }
0x2f: {  	lr =	sadd.s32 s0, s3;
	s0 =	sld [smem:$0x3FAB]  }
0x30: {  	s3 =	sld [smem:$0x3FAE]  }
0x31: {  	[smem:$0x3FB7] =	sst s10  }
0x32: {  	s10 =	sld [smem:$0x3FB5];
	_ =	sdelay $0x3  }
0x33: {  	p0 =	seq.s32 s10, $0x1;
	s10 =	sld [smem:$0x3FB7];
	_ =	sdelay $0x3  }
0x34: {  	[smem:$0x3FB7] =	sst s10  }
0x35: {  	s10 =	sld [smem:$0x3FB6];
	_ =	sdelay $0x3  }
0x36: {  	p1 =	seq.s32 s10, $0x1;
	s10 =	sld [smem:$0x3FB7];
	_ =	sdelay $0x3  }
0x37: {  	[smem:$0x3FB7] =	sst s10  }
0x38: {  	s10 =	sld [smem:$0x3FB8]  }
0x39: {  	_ = 	snop;
	(pc) =	sbr.ind lr, $3  }
0x3a: {  	_ = 	snop  }
0x3b: {  	_ = 	snop  }
0x3c: {  	p2 =	seq.s32 s10, $0x1;
	s10 =	sld [smem:$0x3FB7]  }
0x3d: {  	_ =	shalt  }
0x3e: {  	_ =	shalt  }
0x3f: {  	_ =	shalt  }
0x40: {  	_ =	shalt  }
0x41: {  	_ =	shalt  }
0x42: {  	_ =	shalt  }
0x43: {  	_ =	shalt  }
0x44: {  	_ =	shalt  }
0x45: {  	_ =	shalt  }
0x46: {  	_ =	shalt  }
0x47: {  	_ =	shalt  }
0x48: {  	_ =	shalt  }
0x49: {  	_ =	shalt  }
0x4a: {  	_ =	shalt  }
0x4b: {  	_ =	shalt  }
0x4c: {  	_ =	shalt  }
0x4d: {  	_ =	shalt  }
0x4e: {  	_ =	shalt  }
0x4f: {  	_ =	shalt  }
0x50: {  	_ =	shalt  }
0x51: {  	_ =	shalt  }
0x52: {  	_ =	shalt  }
0x53: {  	_ =	shalt  }
0x54: {  	_ =	shalt  }
0x55: {  	_ =	shalt  }
0x56: {  	_ =	shalt  }
0x57: {  	_ =	shalt  }
0x58: {  	_ =	shalt  }
0x59: {  	_ =	shalt  }
0x5a: {  	_ =	shalt  }
0x5b: {  	_ =	shalt  }
0x5c: {  	_ =	shalt  }
0x5d: {  	_ =	shalt  }
0x5e: {  	_ =	shalt  }
0x5f: {  	_ =	shalt  }
0x60: {  	_ =	shalt  }
0x61: {  	_ =	shalt  }
0x62: {  	_ =	shalt  }
0x63: {  	_ =	shalt  }
0x64: {  	_ =	shalt  }
0x65: {  	_ =	shalt  }
0x66: {  	_ =	shalt  }
0x67: {  	_ =	shalt  }
0x68: {  	_ =	shalt  }
0x69: {  	_ =	shalt  }
0x6a: {  	_ =	shalt  }
0x6b: {  	_ =	shalt  }
0x6c: {  	_ =	shalt  }
0x6d: {  	_ =	shalt  }
0x6e: {  	_ =	shalt  }
0x6f: {  	_ =	shalt  }
0x70: {  	_ =	shalt  }
0x71: {  	_ =	shalt  }
0x72: {  	_ =	shalt  }
0x73: {  	_ =	shalt  }
0x74: {  	_ =	shalt  }
0x75: {  	_ =	shalt  }
0x76: {  	_ =	shalt  }
0x77: {  	_ =	shalt  }
0x78: {  	_ =	shalt  }
0x79: {  	_ =	shalt  }
0x7a: {  	_ =	shalt  }
0x7b: {  	_ =	shalt  }
0x7c: {  	_ =	shalt  }
0x7d: {  	_ =	shalt  }
0x7e: {  	_ =	shalt  }
0x7f: {  	_ =	shalt  }
0x80: {  	_ =	shalt  }
0x81: {  	_ =	shalt  }
0x82: {  	_ =	shalt  }
0x83: {  	_ =	shalt  }
0x84: {  	_ =	shalt  }
0x85: {  	_ =	shalt  }
0x86: {  	_ =	shalt  }
0x87: {  	_ =	shalt  }
.Lfunc_end0:
.L_simem_size_0:
called_computation_lowered:
.L_overlay_start_0:
0x88: {  	s2 =	sld [smem:$0x3FD9]  }
0x89: {  	s3 =	sld [smem:$0x3FFE];
	_ =	sdelay $0x1  }
0x8a: {  	s1 =	srdreg.scid  }
0x8b: {  	s0 =	sand.u32 $0x1, s1  }
0x8c: {  	s17 =	sshll.u32 s0, $0xA;
	s2 =	sadd.s32 s3, s2  }
0x8d: {  	s2 =	sadd.s32 s2, s17  }
0x8e: {  	[smem:$0x3FC3] =	sst s2  }
0x8f: {  	_ = 	snop  }
0x90: {  	s18 =	sld [smem:$0x3FD0];
	(tm) =	ssettm $0x1  }
0x91: {  	s19 =	sld [smem:$0x3FFB];
	_ =	sdelay $0x3  }
0x92: {  	_ =	strace s19  }
0x93: {  	s2 =	sld [smem:$0x3FFC];
	_ =	sdelay $0x3  }
0x94: {  	_ =	strace s2  }
0x95: {  	s2 =	sld [smem:$0x3FFD];
	_ =	sdelay $0x3  }
0x96: {  	_ =	strace s2  }
0x97: {  	_ =	strace $0x8FFFFFFF  }
0x98: {  	s20 =	sld [smem:$0x3FDB];
	_ =	sdelay $0x1  }
0x99: {  	s4 =	simm.s32 $_scs_section_size  }
0x9a: {  	s5 =	simm.s32 $_size__tile_overlayer_lowered;
	s6 =	simm.s32 $_tile_overlayer_lowered  }
0x9b: {  	s7 =	simm.s32 $0x1BFF;
	s21 =	sshll.u32 s6, $0x1;
	s4 =	sadd.s32 s4, s20  }
0x9c: {  	s22 =	simm.s32 $0x0;
	s5 =	sshll.u32 s5, $0x1;
	s6 =	sadd.s32 s21, s4  }
0x9d: {  	[timem:s22], [sflag:s7] =	dma.local [hbm:s6], s5  }
0x9e: {  	_ =	swait.ge [sflag:s7], s5  }
0x9f: {  	s5 =	ssub.s32 $0x0, s5;
	[sflag:s7] =	ssyncset.done $0x0  }
0xa0: {  	[sflag:s7] =	ssyncadd.s32 s5;
	_ =	sdelay $0x1  }
0xa1: {  	s23 =	simm.s32 $0x1B8B  }
0xa2: {  	_ =	swait.ge [sflag:s23], $0x1  }
0xa3: {  	[sflag:s23] =	ssyncset.done $0x0  }
0xa4: {  	[sflag:s23] =	ssyncadd.s32 $0xFFFFFFFF  }
0xa5: {  	s5 =	sld [smem:$0x0]  }
0xa6: {  	s6 =	sand.u32 $0xFFFFFFFE, s1  }
0xa7: {  	p0 =	sne.s32 s1, s6  }
0xa8: {  	s6 =	sshll.u32 @p0 s6, $0xE  }
0xa9: {  	s6 =	sadd.s32 @p0 $0x11B8D, s6;
	s7 =	sshll.u32 @p0 s5, $0x11  }
0xaa: {  	s6 =	sor.u32 @p0 s7, s6  }
0xab: {  	[sflag:s6] =	ssyncadd.remote.s32 @p0 $0x1;
	_ =	sdelay $0x1  }
0xac: {  	s6 =	simm.s32 @p0 $0x1B8D  }
0xad: {  	_ =	swait.eq @p0 [sflag:s6], $0x1  }
0xae: {  	[sflag:s6] =	ssyncadd.s32 @p0 $0xFFFFFFFF  }
0xaf: {  	s7 =	sshll.u32 @!p0 s1, $0xE  }
0xb0: {  	s7 =	sor.u32 @!p0 $0x4000, s7;
	s6 =	simm.s32 @!p0 $0x1B8D  }
0xb1: {  	s5 =	sshll.u32 @!p0 s5, $0x11;
	s7 =	sadd.s32 @!p0 $0x11B8D, s7;
	_ =	swait.eq @!p0 [sflag:s6], $0x1  }
0xb2: {  	s5 =	sor.u32 @!p0 s5, s7;
	[sflag:s6] =	ssyncadd.s32 @!p0 $0xFFFFFFFF  }
0xb3: {  	s25 =	simm.s32 $0x1B8E;
	s24 =	sld [smem:$0x3FFE];
	[sflag:s5] =	ssyncadd.remote.s32 @!p0 $0x1  }
0xb4: {  	s26 =	simm.s32 $execute0_lowered;
	[smem:$0x3FD2] =	sst s25  }
0xb5: {  	s6 =	sshll.u32 s26, $0x1;
	_ =	strace $0x80000049;
	[dreg:$0x1] =	wrdreg $0xFFFFFFFF  }
0xb6: {  	s28 =	simm.s32 $_size_execute0_lowered;
	s4 =	sadd.s32 s4, s6;
	[dreg:$0x0] =	wrdreg $0x0  }
0xb7: {  	s6 =	sshll.u32 s28, $0x1;
	[dreg:$0x2] =	wrdreg s4  }
0xb8: {  	[dreg:$0x3] =	wrdreg s6  }
0xb9: {  	[dreg:$0x4] =	wrdreg $0xC0  }
0xba: {  	_ =	task [dreg:s22], $0x5FFFF  }
0xbb: {  	[dreg:$0x1] =	wrdreg $0xFFFFFFFF  }
0xbc: {  	[dreg:$0x0] =	wrdreg $0x60  }
0xbd: {  	[dreg:$0x2] =	wrdreg s24  }
0xbe: {  	[dreg:$0x3] =	wrdreg s18  }
0xbf: {  	[dreg:$0x4] =	wrdreg $0x9  }
0xc0: {  	_ =	task.clear_ibuf [dreg:s22], $0x5FFFF;
	_ =	strace $0x90000049  }
0xc1: {  	s29 =	simm.s32 $0x9;
	_ =	strace $0x8000004B  }
0xc2: {  	_ =	swait.ge [sflag:s29], $0x1  }
0xc3: {  	[sflag:s29] =	ssyncadd.s32 $0xFFFFFFFF  }
0xc4: {  	_ =	strace $0x9000004B  }
0xc5: {  	_ =	sfence  }
0xc6: {  	s30 =	sld [smem:$0x0];
	_ =	sdelay $0x2  }
0xc7: {  	s31 =	sshll.u32 s1, $0xD;
	s1 =	sshrl.u32 s1, $0x2  }
0xc8: {  	s4 =	sand.u32 $0x4000, s31;
	s1 =	sadd.s32 s1, s30  }
0xc9: {  	s0 =	sor.u32 s4, s0;
	s1 =	sshll.u32 s1, $0x11  }
0xca: {  	s0 =	sor.u32 s1, s0  }
0xcb: {  	s0 =	sadd.s32 $0x8F2B, s0  }
0xcc: {  	[sflag:s0] =	ssyncadd.remote.s32 $0x1  }
0xcd: {  	_ =	sfence.sel $0xFFFF  }
0xce: {  	[dreg:$0x0] =	wrdreg $0xFFFFFFFF;
	(pc) =	sbr.abs _section_cstart, $3  }
0xcf: {  	[dreg:$0x1] =	wrdreg $0xFFFFFFFF  }
0xd0: {  	_ =	task.clear_ibuf [dreg:s22], $0x2FFFF;
	_ =	strace $0x9FFFFFFF  }
0xd1: {  	(tm) =	ssettm $0x7FFFFFFF  }
tec
execute0_lowered:
.L_overlay_start_1:
0x0: {  	(tag) =	ssettag $0x1  }
0x1: {  	s0 =	rddreg [dreg:$0x0];
	s1 =	srdreg.scid  }
0x2: {  	s5 =	stileid.u32;
	s2 =	rddreg [dreg:$0x1]  }
0x3: {  	s3 =	simm.s32 $0x0;
	s8 =	simm.s32 $0x5;
	s10 =	simm.s32 $0xD00  }
0x4: {  	s13 =	simm.s32 $0x2500;
	s14 =	simm.s32 $0x2D00;
	s15 =	simm.s32 $0x5D00  }
0x5: {  	s16 =	simm.s32 $0x6500;
	s17 =	simm.s32 $0x6D00;
	s18 =	simm.s32 $0x7500  }
0x6: {  	s19 =	simm.s32 $0x7D00;
	s20 =	simm.s32 $0x3500;
	s21 =	simm.s32 $0x3D00  }
0x7: {  	s22 =	simm.s32 $0x4500;
	s1 =	sand.u32 $0x1, s1;
	s4 =	sshll.u32 s5, $0x1  }
0x8: {  	s28 =	simm.s32 $0x9500;
	s29 =	simm.s32 $0x9D00;
	s4 =	sor.u32 s1, s4  }
0x9: {  	s30 =	simm.s32 $0xA500;
	s31 =	simm.s32 $0x1;
	s4 =	smul.u32 $0x640, s4  }
0xa: {  	s9 =	simm.s32 $0x4;
	[smem:$0x7FF] =	sst s3;
	s5 =	smul.u32 $0x19000, s5  }
0xb: {  	_ =	strace $0x8000004A;
	s6 =	ssub.s32 $0x2, s1;
	s4 =	sshrl.u32 s4, $0x3  }
0xc: {  	s1 =	smul.u32 $0xC800, s1;
	s23 =	sshrl.u32 s6, $0x1;
	s4 =	sadd.s32 s4, s0  }
0xd: {  	s0 =	sadd.s32 s5, s0;
	s5 =	ssub.s32 s6, s23;
	s23 =	simm.s32 $0x4D00  }
.Ltmp0:
0xe: {  	s24 =	sadd.s32 $0x1200, s4;
	s0 =	sadd.s32 s1, s0;
	(pc) =	sbr.rel .LBB2_1-.Ltmp0, $4  }
0xf: {  	s25 =	sadd.s32 $0x4A1C00, s4;
	s26 =	smax.u32 s5, $0x1;
	[dreg:$0x3] =	wrdreg s24  }
0x10: {  	v2 =	vlaneseq.u32;
	s1 =	simm.s32 $0x3;
	s5 =	simm.s32 $0x0;
	[dreg:$0x4] =	wrdreg s25  }
0x11: {  	vm0 =	vmmov $0xffff;
	v1 =	vshrl.u32 v2, $0x3;
	[dreg:$0x5] =	wrdreg s26;
	s7 =	sadd.s32 $0x4A3600, s0;
	s24 =	simm.s32 $0x5500  }
0x12: {  	v0 =	vand.u32 $0x7, v2;
	v2 =	vor.u32 $0x8, v2;
	v1 =	vmul.u32 $0x8, v1;
	s25 =	simm.s32 $0x8500;
	s26 =	simm.s32 $0x8D00;
	s0 =	simm.s32 $0x2  }
.LBB2_5:
0x13: {  	s5 =	rddreg [dreg:$0x6]  }
0x14: {  	s4 =	rddreg [dreg:$0x5];
	s5 =	sadd.s32 $0x1, s5  }
0x15: {  	p0 =	sne.s32 s5, s4  }
.Ltmp1:
0x16: {  	_ = 	snop;
	(pc) =	sbr.rel @!p0 .LBB2_6-.Ltmp1, $1  }
0x17: {  	_ =	sdelay $0x3  }
.LBB2_1:
0x18: {  	[dreg:$0x6] =	wrdreg s5  }
0x19: {  	s4 =	rddreg [dreg:$0x3]  }
0x1a: {  	[tilespmem:s3], [sflag:$0x5] =	stream.linear.gather [hbm4b:s4+s3], $0x640, $0x38;
	[tilespmem:$0xAD00] =	vst v63  }
0x1b: {  	_ =	swait.ge [sflag:s8], $0x640  }
0x1c: {  	[sflag:s8] =	ssyncset.done $0x0  }
0x1d: {  	s6 =	simm.s32 $0x680;
	s5 =	rddreg [dreg:$0x4];
	[sflag:s8] =	ssyncadd.s32 $0xFFFFF9C0  }
0x1e: {  	[tilespmem:s6], [sflag:$0x5] =	stream.linear.gather [hbm4b:s5+s3], $0x640, $0x38;
	[tilespmem:$0xAD00] =	vst v63  }
0x1f: {  	_ =	swait.ge [sflag:s8], $0x640  }
0x20: {  	[sflag:s8] =	ssyncset.done $0x0  }
0x21: {  	[sflag:s8] =	ssyncadd.s32 $0xFFFFF9C0  }
0x22: {  	v3 =	vld [tilespmem:$0x0];
	_ =	sdelay $0x4  }
0x23: {  	v4 =	vshll.u32 v3, $0x1  }
0x24: {  	v3 =	vand.u32 $0x7, v3;
	v4 =	vand.u32 $0xFFFFFFF0, v4  }
0x25: {  	v3 =	vor.u32 v3, v4  }
0x26: {  	v4 =	vperm.xlane v3, v0;
	_ =	sdelay $0x1  }
0x27: {  	v3 =	vperm.xlane v3, v2;
	v4 =	vadd.s32 v1, v4;
	_ =	sdelay $0x1  }
0x28: {  	v3 =	vadd.s32 v1, v3;
	_ =	sdelay $0x2  }
0x29: {  	[tilespmem:s10], [sflag:$0x1] =	stream.indirect_vreg.gather [hbm4b:s2+s3], $0x80, v4, vm0, $0xb8;
	[tilespmem:$0xAD00] =	vst v63  }
0x2a: {  	s11 =	simm.s32 $0x1500  }
0x2b: {  	[tilespmem:s11], [sflag:$0x1] =	stream.indirect_vreg.gather [hbm4b:s2+s3], $0x80, v3, vm0, $0xb8;
	[tilespmem:$0xAD00] =	vst v63  }
0x2c: {  	v3 =	vld [tilespmem:$0x10];
	_ =	sdelay $0x4  }
0x2d: {  	v59 =	vshll.u32 v3, $0x1  }
0x2e: {  	v3 =	vand.u32 $0x7, v3;
	v4 =	vand.u32 $0xFFFFFFF0, v59  }
0x2f: {  	v3 =	vor.u32 v3, v4  }
0x30: {  	v4 =	vperm.xlane v3, v0;
	_ =	sdelay $0x1  }
0x31: {  	v3 =	vperm.xlane v3, v2;
	v4 =	vadd.s32 v1, v4;
	_ =	sdelay $0x1  }
0x32: {  	v3 =	vadd.s32 v1, v3;
	_ =	sdelay $0x1  }
0x33: {  	s12 =	simm.s32 $0x1D00  }
0x34: {  	[tilespmem:s12], [sflag:$0x1] =	stream.indirect_vreg.gather [hbm4b:s2+s3], $0x80, v4, vm0, $0xb8;
	[tilespmem:$0xAD00] =	vst v63  }
0x35: {  	_ = 	snop  }
0x36: {  	[tilespmem:s13], [sflag:$0x1] =	stream.indirect_vreg.gather [hbm4b:s2+s3], $0x80, v3, vm0, $0xb8;
	[tilespmem:$0xAD00] =	vst v63  }
0x37: {  	v3 =	vld.msk [tilespmem:$0x20], $0xff;
	_ =	sdelay $0x4  }
0x38: {  	v60 =	vshll.u32 v3, $0x1  }
0x39: {  	v3 =	vand.u32 $0x7, v3;
	v4 =	vand.u32 $0xFFFFFFF0, v60  }
0x3a: {  	v3 =	vor.u32 v3, v4  }
0x3b: {  	v3 =	vperm.xlane v3, v0;
	_ =	sdelay $0x1  }
0x3c: {  	v3 =	vadd.s32 v1, v3;
	_ =	sdelay $0x4  }
0x3d: {  	[tilespmem:s14], [sflag:$0x1] =	stream.indirect_vreg.gather [hbm4b:s2+s3], $0x80, v3, vm0, $0xb8;
	[tilespmem:$0xAD00] =	vst v63  }
0x3e: {  	v3 =	vld [tilespmem:$0x680];
	_ =	sdelay $0x4  }
0x3f: {  	v61 =	vshll.u32 v3, $0x1  }
0x40: {  	v3 =	vand.u32 $0x7, v3;
	v4 =	vand.u32 $0xFFFFFFF0, v61  }
0x41: {  	v3 =	vor.u32 v3, v4  }
0x42: {  	v4 =	vperm.xlane v3, v0;
	_ =	sdelay $0x1  }
0x43: {  	v3 =	vperm.xlane v3, v2;
	v4 =	vadd.s32 v1, v4;
	_ =	sdelay $0x1  }
0x44: {  	v3 =	vadd.s32 v1, v3;
	_ =	sdelay $0x2  }
0x45: {  	[tilespmem:s15], [sflag:$0x3] =	stream.indirect_vreg.gather [hbm4b:s2+s3], $0x80, v4, vm0, $0xb8;
	[tilespmem:$0xAD00] =	vst v63  }
0x46: {  	_ = 	snop  }
0x47: {  	[tilespmem:s16], [sflag:$0x3] =	stream.indirect_vreg.gather [hbm4b:s2+s3], $0x80, v3, vm0, $0xb8;
	[tilespmem:$0xAD00] =	vst v63  }
0x48: {  	v3 =	vld [tilespmem:$0x690];
	_ =	sdelay $0x4  }
0x49: {  	v62 =	vshll.u32 v3, $0x1  }
0x4a: {  	v3 =	vand.u32 $0x7, v3;
	v4 =	vand.u32 $0xFFFFFFF0, v62  }
0x4b: {  	v3 =	vor.u32 v3, v4  }
0x4c: {  	v4 =	vperm.xlane v3, v0;
	_ =	sdelay $0x1  }
0x4d: {  	v3 =	vperm.xlane v3, v2;
	v4 =	vadd.s32 v1, v4;
	_ =	sdelay $0x1  }
0x4e: {  	v3 =	vadd.s32 v1, v3;
	_ =	sdelay $0x2  }
0x4f: {  	[tilespmem:s17], [sflag:$0x3] =	stream.indirect_vreg.gather [hbm4b:s2+s3], $0x80, v4, vm0, $0xb8;
	[tilespmem:$0xAD00] =	vst v63  }
0x50: {  	_ = 	snop  }
0x51: {  	[tilespmem:s18], [sflag:$0x3] =	stream.indirect_vreg.gather [hbm4b:s2+s3], $0x80, v3, vm0, $0xb8;
	[tilespmem:$0xAD00] =	vst v63  }
0x52: {  	v3 =	vld.msk [tilespmem:$0x6A0], $0xff;
	_ =	sdelay $0x4  }
0x53: {  	v63 =	vshll.u32 v3, $0x1  }
0x54: {  	v3 =	vand.u32 $0x7, v3;
	v4 =	vand.u32 $0xFFFFFFF0, v63  }
0x55: {  	v3 =	vor.u32 v3, v4  }
0x56: {  	v3 =	vperm.xlane v3, v0;
	_ =	sdelay $0x1  }
0x57: {  	v3 =	vadd.s32 v1, v3  }
.Ltmp2:
0x58: {  	_ = 	snop;
	(pc) =	sbr.rel .LBB2_2-.Ltmp2, $3  }
0x59: {  	_ =	sdelay $0x1  }
0x5a: {  	s4 =	simm.s32 $0x0;
	s5 =	simm.s32 $0x38;
	s6 =	simm.s32 $0x6B8  }
0x5b: {  	[tilespmem:s19], [sflag:$0x3] =	stream.indirect_vreg.gather [hbm4b:s2+s3], $0x80, v3, vm0, $0xb8;
	[tilespmem:$0xAD00] =	vst v63  }
.LBB2_4:
0x5c: {  	_ =	swait.ge [sflag:s0], $0x2800  }
0x5d: {  	[sflag:s0] =	ssyncset.done $0x0  }
0x5e: {  	s12 =	sadd.s32 $0x500, s11;
	[sflag:s0] =	ssyncadd.s32 $0xFFFFD800  }
0x5f: {  	[hbm4b:s12+s3] =	stream.linear.scatter [tilespmem:s20], [sflag:$0x5], $0x2800, $0x38;
	[tilespmem:$0xAD00] =	vst v63  }
0x60: {  	_ =	swait.ge [sflag:s8], $0x2800  }
0x61: {  	[sflag:s8] =	ssyncset.done $0x0  }
0x62: {  	[sflag:s8] =	ssyncadd.s32 $0xFFFFD800  }
0x63: {  	s4 =	sadd.s32 $0xA00, s4;
	_ =	swait.ge [sflag:s9], $0x2800  }
0x64: {  	p0 =	sne.s32 s4, $0xC800;
	[sflag:s9] =	ssyncset.done $0x0  }
.Ltmp3:
0x65: {  	s12 =	sadd.s32 $0x190500, s11;
	[sflag:s9] =	ssyncadd.s32 $0xFFFFD800;
	(pc) =	sbr.rel @!p0 .LBB2_5-.Ltmp3, $4  }
0x66: {  	[hbm4b:s12+s3] =	stream.linear.scatter [tilespmem:s25], [sflag:$0x5], $0x2800, $0x38;
	[tilespmem:$0xAD00] =	vst v63  }
0x67: {  	_ =	swait.ge [sflag:s8], $0x2800  }
0x68: {  	[sflag:s8] =	ssyncset.done $0x0  }
0x69: {  	s5 =	sadd.s32 $0x50, s5;
	s6 =	sadd.s32 $0x50, s6;
	[sflag:s8] =	ssyncadd.s32 $0xFFFFD800  }
.LBB2_2:
0x6a: {  	v3 =	vld [tilespmem:s5+$0xFFFFFFF0];
	_ =	sdelay $0x4  }
0x6b: {  	v4 =	vshll.u32 v3, $0x1  }
0x6c: {  	v3 =	vand.u32 $0x7, v3;
	v4 =	vand.u32 $0xFFFFFFF0, v4  }
0x6d: {  	v3 =	vor.u32 v3, v4  }
0x6e: {  	v4 =	vperm.xlane v3, v0;
	_ =	sdelay $0x1  }
0x6f: {  	v3 =	vperm.xlane v3, v2;
	v4 =	vadd.s32 v1, v4;
	_ =	sdelay $0x1  }
0x70: {  	v3 =	vadd.s32 v1, v3;
	_ =	sdelay $0x2  }
0x71: {  	[tilespmem:s20], [sflag:$0x2] =	stream.indirect_vreg.gather [hbm4b:s2+s3], $0x80, v4, vm0, $0xb8;
	[tilespmem:$0xAD00] =	vst v63  }
0x72: {  	_ = 	snop  }
0x73: {  	[tilespmem:s21], [sflag:$0x2] =	stream.indirect_vreg.gather [hbm4b:s2+s3], $0x80, v3, vm0, $0xb8;
	[tilespmem:$0xAD00] =	vst v63  }
0x74: {  	v3 =	vld [tilespmem:s5+$0x0];
	_ =	sdelay $0x4  }
0x75: {  	v59 =	vshll.u32 v3, $0x1  }
0x76: {  	v3 =	vand.u32 $0x7, v3;
	v4 =	vand.u32 $0xFFFFFFF0, v59  }
0x77: {  	v3 =	vor.u32 v3, v4  }
0x78: {  	v4 =	vperm.xlane v3, v0;
	_ =	sdelay $0x1  }
0x79: {  	v3 =	vperm.xlane v3, v2;
	v4 =	vadd.s32 v1, v4;
	_ =	sdelay $0x1  }
0x7a: {  	v3 =	vadd.s32 v1, v3;
	_ =	sdelay $0x2  }
0x7b: {  	[tilespmem:s22], [sflag:$0x2] =	stream.indirect_vreg.gather [hbm4b:s2+s3], $0x80, v4, vm0, $0xb8;
	[tilespmem:$0xAD00] =	vst v63  }
0x7c: {  	_ = 	snop  }
0x7d: {  	[tilespmem:s23], [sflag:$0x2] =	stream.indirect_vreg.gather [hbm4b:s2+s3], $0x80, v3, vm0, $0xb8;
	[tilespmem:$0xAD00] =	vst v63  }
0x7e: {  	v3 =	vld.msk [tilespmem:s5+$0x10], $0xff;
	_ =	sdelay $0x4  }
0x7f: {  	v60 =	vshll.u32 v3, $0x1  }
0x80: {  	v3 =	vand.u32 $0x7, v3;
	v4 =	vand.u32 $0xFFFFFFF0, v60  }
0x81: {  	v3 =	vor.u32 v3, v4  }
0x82: {  	v3 =	vperm.xlane v3, v0;
	_ =	sdelay $0x1  }
0x83: {  	v3 =	vadd.s32 v1, v3;
	_ =	sdelay $0x4  }
0x84: {  	[tilespmem:s24], [sflag:$0x2] =	stream.indirect_vreg.gather [hbm4b:s2+s3], $0x80, v3, vm0, $0xb8;
	[tilespmem:$0xAD00] =	vst v63  }
0x85: {  	v3 =	vld [tilespmem:s6+$0xFFFFFFF0];
	_ =	sdelay $0x4  }
0x86: {  	v61 =	vshll.u32 v3, $0x1  }
0x87: {  	v3 =	vand.u32 $0x7, v3;
	v4 =	vand.u32 $0xFFFFFFF0, v61  }
0x88: {  	v3 =	vor.u32 v3, v4  }
0x89: {  	v4 =	vperm.xlane v3, v0;
	_ =	sdelay $0x1  }
0x8a: {  	v3 =	vperm.xlane v3, v2;
	v4 =	vadd.s32 v1, v4;
	_ =	sdelay $0x1  }
0x8b: {  	v3 =	vadd.s32 v1, v3;
	_ =	sdelay $0x2  }
0x8c: {  	[tilespmem:s25], [sflag:$0x4] =	stream.indirect_vreg.gather [hbm4b:s2+s3], $0x80, v4, vm0, $0xb8;
	[tilespmem:$0xAD00] =	vst v63  }
0x8d: {  	_ = 	snop  }
0x8e: {  	[tilespmem:s26], [sflag:$0x4] =	stream.indirect_vreg.gather [hbm4b:s2+s3], $0x80, v3, vm0, $0xb8;
	[tilespmem:$0xAD00] =	vst v63  }
0x8f: {  	v3 =	vld [tilespmem:s6+$0x0];
	_ =	sdelay $0x4  }
0x90: {  	v62 =	vshll.u32 v3, $0x1  }
0x91: {  	v3 =	vand.u32 $0x7, v3;
	v4 =	vand.u32 $0xFFFFFFF0, v62  }
0x92: {  	v3 =	vor.u32 v3, v4  }
0x93: {  	v4 =	vperm.xlane v3, v0;
	_ =	sdelay $0x1  }
0x94: {  	v3 =	vperm.xlane v3, v2;
	v4 =	vadd.s32 v1, v4;
	_ =	sdelay $0x1  }
0x95: {  	v3 =	vadd.s32 v1, v3;
	_ =	sdelay $0x2  }
0x96: {  	[tilespmem:s28], [sflag:$0x4] =	stream.indirect_vreg.gather [hbm4b:s2+s3], $0x80, v4, vm0, $0xb8;
	[tilespmem:$0xAD00] =	vst v63  }
0x97: {  	_ = 	snop  }
0x98: {  	[tilespmem:s29], [sflag:$0x4] =	stream.indirect_vreg.gather [hbm4b:s2+s3], $0x80, v3, vm0, $0xb8;
	[tilespmem:$0xAD00] =	vst v63  }
0x99: {  	v3 =	vld.msk [tilespmem:s6+$0x10], $0xff;
	_ =	sdelay $0x4  }
0x9a: {  	v63 =	vshll.u32 v3, $0x1  }
0x9b: {  	v3 =	vand.u32 $0x7, v3;
	v4 =	vand.u32 $0xFFFFFFF0, v63  }
0x9c: {  	v3 =	vor.u32 v3, v4  }
0x9d: {  	v3 =	vperm.xlane v3, v0;
	_ =	sdelay $0x1  }
0x9e: {  	v3 =	vadd.s32 v1, v3;
	_ =	sdelay $0x4  }
0x9f: {  	[tilespmem:s30], [sflag:$0x4] =	stream.indirect_vreg.gather [hbm4b:s2+s3], $0x80, v3, vm0, $0xb8;
	[tilespmem:$0xAD00] =	vst v63  }
0xa0: {  	_ =	swait.ge [sflag:s31], $0x2800  }
0xa1: {  	[sflag:s31] =	ssyncset.done $0x0  }
0xa2: {  	s11 =	sadd.s32 s4, s7;
	[sflag:s31] =	ssyncadd.s32 $0xFFFFD800  }
0xa3: {  	[hbm4b:s11+s3] =	stream.linear.scatter [tilespmem:s10], [sflag:$0x5], $0x2800, $0x38;
	[tilespmem:$0xAD00] =	vst v63  }
0xa4: {  	_ =	swait.ge [sflag:s8], $0x2800  }
0xa5: {  	[sflag:s8] =	ssyncset.done $0x0  }
0xa6: {  	[sflag:s8] =	ssyncadd.s32 $0xFFFFD800  }
0xa7: {  	_ =	swait.ge [sflag:s1], $0x2800  }
0xa8: {  	p0 =	seq.s32 s4, $0xBE00;
	[sflag:s1] =	ssyncset.done $0x0  }
.Ltmp4:
0xa9: {  	s12 =	sadd.s32 $0x190000, s11;
	[sflag:s1] =	ssyncadd.s32 $0xFFFFD800;
	(pc) =	sbr.rel @p0 .LBB2_4-.Ltmp4, $4  }
0xaa: {  	[hbm4b:s12+s3] =	stream.linear.scatter [tilespmem:s15], [sflag:$0x5], $0x2800, $0x38;
	[tilespmem:$0xAD00] =	vst v63  }
0xab: {  	_ =	swait.ge [sflag:s8], $0x2800  }
0xac: {  	[sflag:s8] =	ssyncset.done $0x0  }
0xad: {  	[sflag:s8] =	ssyncadd.s32 $0xFFFFD800  }
0xae: {  	v3 =	vld [tilespmem:s5+$0x18];
	_ =	sdelay $0x4  }
0xaf: {  	v4 =	vshll.u32 v3, $0x1  }
0xb0: {  	v3 =	vand.u32 $0x7, v3;
	v4 =	vand.u32 $0xFFFFFFF0, v4  }
0xb1: {  	v3 =	vor.u32 v3, v4  }
0xb2: {  	v4 =	vperm.xlane v3, v0;
	_ =	sdelay $0x1  }
0xb3: {  	v3 =	vperm.xlane v3, v2;
	v4 =	vadd.s32 v1, v4;
	_ =	sdelay $0x1  }
0xb4: {  	v3 =	vadd.s32 v1, v3;
	_ =	sdelay $0x2  }
0xb5: {  	[tilespmem:s10], [sflag:$0x1] =	stream.indirect_vreg.gather [hbm4b:s2+s3], $0x80, v4, vm0, $0xb8;
	[tilespmem:$0xAD00] =	vst v63  }
0xb6: {  	s12 =	simm.s32 $0x1500  }
0xb7: {  	[tilespmem:s12], [sflag:$0x1] =	stream.indirect_vreg.gather [hbm4b:s2+s3], $0x80, v3, vm0, $0xb8;
	[tilespmem:$0xAD00] =	vst v63  }
0xb8: {  	v3 =	vld [tilespmem:s5+$0x28];
	_ =	sdelay $0x4  }
0xb9: {  	v59 =	vshll.u32 v3, $0x1  }
0xba: {  	v3 =	vand.u32 $0x7, v3;
	v4 =	vand.u32 $0xFFFFFFF0, v59  }
0xbb: {  	v3 =	vor.u32 v3, v4  }
0xbc: {  	v4 =	vperm.xlane v3, v0;
	_ =	sdelay $0x1  }
0xbd: {  	v3 =	vperm.xlane v3, v2;
	v4 =	vadd.s32 v1, v4;
	_ =	sdelay $0x1  }
0xbe: {  	v3 =	vadd.s32 v1, v3;
	_ =	sdelay $0x1  }
0xbf: {  	s12 =	simm.s32 $0x1D00  }
0xc0: {  	[tilespmem:s12], [sflag:$0x1] =	stream.indirect_vreg.gather [hbm4b:s2+s3], $0x80, v4, vm0, $0xb8;
	[tilespmem:$0xAD00] =	vst v63  }
0xc1: {  	_ = 	snop  }
0xc2: {  	[tilespmem:s13], [sflag:$0x1] =	stream.indirect_vreg.gather [hbm4b:s2+s3], $0x80, v3, vm0, $0xb8;
	[tilespmem:$0xAD00] =	vst v63  }
0xc3: {  	v3 =	vld.msk [tilespmem:s5+$0x38], $0xff;
	_ =	sdelay $0x4  }
0xc4: {  	v60 =	vshll.u32 v3, $0x1  }
0xc5: {  	v3 =	vand.u32 $0x7, v3;
	v4 =	vand.u32 $0xFFFFFFF0, v60  }
0xc6: {  	v3 =	vor.u32 v3, v4  }
0xc7: {  	v3 =	vperm.xlane v3, v0;
	_ =	sdelay $0x1  }
0xc8: {  	v3 =	vadd.s32 v1, v3;
	_ =	sdelay $0x4  }
0xc9: {  	[tilespmem:s14], [sflag:$0x1] =	stream.indirect_vreg.gather [hbm4b:s2+s3], $0x80, v3, vm0, $0xb8;
	[tilespmem:$0xAD00] =	vst v63  }
0xca: {  	v3 =	vld [tilespmem:s6+$0x18];
	_ =	sdelay $0x4  }
0xcb: {  	v61 =	vshll.u32 v3, $0x1  }
0xcc: {  	v3 =	vand.u32 $0x7, v3;
	v4 =	vand.u32 $0xFFFFFFF0, v61  }
0xcd: {  	v3 =	vor.u32 v3, v4  }
0xce: {  	v4 =	vperm.xlane v3, v0;
	_ =	sdelay $0x1  }
0xcf: {  	v3 =	vperm.xlane v3, v2;
	v4 =	vadd.s32 v1, v4;
	_ =	sdelay $0x1  }
0xd0: {  	v3 =	vadd.s32 v1, v3;
	_ =	sdelay $0x2  }
0xd1: {  	[tilespmem:s15], [sflag:$0x3] =	stream.indirect_vreg.gather [hbm4b:s2+s3], $0x80, v4, vm0, $0xb8;
	[tilespmem:$0xAD00] =	vst v63  }
0xd2: {  	_ = 	snop  }
0xd3: {  	[tilespmem:s16], [sflag:$0x3] =	stream.indirect_vreg.gather [hbm4b:s2+s3], $0x80, v3, vm0, $0xb8;
	[tilespmem:$0xAD00] =	vst v63  }
0xd4: {  	v3 =	vld [tilespmem:s6+$0x28];
	_ =	sdelay $0x4  }
0xd5: {  	v62 =	vshll.u32 v3, $0x1  }
0xd6: {  	v3 =	vand.u32 $0x7, v3;
	v4 =	vand.u32 $0xFFFFFFF0, v62  }
0xd7: {  	v3 =	vor.u32 v3, v4  }
0xd8: {  	v4 =	vperm.xlane v3, v0;
	_ =	sdelay $0x1  }
0xd9: {  	v3 =	vperm.xlane v3, v2;
	v4 =	vadd.s32 v1, v4;
	_ =	sdelay $0x1  }
0xda: {  	v3 =	vadd.s32 v1, v3;
	_ =	sdelay $0x2  }
0xdb: {  	[tilespmem:s17], [sflag:$0x3] =	stream.indirect_vreg.gather [hbm4b:s2+s3], $0x80, v4, vm0, $0xb8;
	[tilespmem:$0xAD00] =	vst v63  }
0xdc: {  	_ = 	snop  }
0xdd: {  	[tilespmem:s18], [sflag:$0x3] =	stream.indirect_vreg.gather [hbm4b:s2+s3], $0x80, v3, vm0, $0xb8;
	[tilespmem:$0xAD00] =	vst v63  }
0xde: {  	v3 =	vld.msk [tilespmem:s6+$0x38], $0xff;
	_ =	sdelay $0x4  }
0xdf: {  	v63 =	vshll.u32 v3, $0x1  }
0xe0: {  	v3 =	vand.u32 $0x7, v3;
	v4 =	vand.u32 $0xFFFFFFF0, v63  }
0xe1: {  	v3 =	vor.u32 v3, v4  }
0xe2: {  	v3 =	vperm.xlane v3, v0;
	_ =	sdelay $0x1  }
0xe3: {  	v3 =	vadd.s32 v1, v3  }
.Ltmp5:
0xe4: {  	_ = 	snop;
	(pc) =	sbr.rel .LBB2_4-.Ltmp5, $2  }
0xe5: {  	_ =	sdelay $0x2  }
0xe6: {  	[tilespmem:s19], [sflag:$0x3] =	stream.indirect_vreg.gather [hbm4b:s2+s3], $0x80, v3, vm0, $0xb8;
	[tilespmem:$0xAD00] =	vst v63  }
.LBB2_6:
0xe7: {  	_ =	sfence.sel $0x180000  }
0xe8: {  	[bflag:$0x0] =	sbarrier.arrive $0xFFFF  }
0xe9: {  	_ =	strace $0x9000004A  }
0xea: {  	s0 =	stileid.u32;
	[bflag:$0x2] =	sbarrier.arrive $0xFFFF  }
0xeb: {  	p0 =	sne.s32 s0, $0x0;
	s0 =	rddreg [dreg:$0x2]  }
0xec: {  	s0 =	sadd.s32 @!p0 $0x100000, s0  }
0xed: {  	[sflag:s0] =	ssyncadd.tile.s32 @!p0 $0x1;
	_ =	shalt  }
.Lfunc_end2:
_tile_overlayer_lowered:
.L_overlay_start_2:
0xee: {  	(tag) =	ssettag $0x2  }
0xef: {  	s0 =	rddreg [dreg:$0x0];
	s2 =	stileid.u32  }
0xf0: {  	s1 =	rddreg [dreg:$0x1];
	p0 =	sne.s32 s2, $0x0  }
0xf1: {  	s3 =	rddreg [dreg:$0x2];
	[bflag:$0x3] =	sbarrier.arrive $0xFFFF;
	s2 =	simm.s32 @!p0 $0x1C05  }
0xf2: {  	[timem:s3], [sflag:s2] =	dma.local @!p0 [hbm:s0], s1  }
0xf3: {  	s0 =	simm.s32 @!p0 $0x5  }
0xf4: {  	_ =	swait.ge @!p0 [sflag:s0], s1  }
0xf5: {  	s1 =	ssub.s32 @!p0 $0x0, s1;
	[sflag:s0] =	ssyncset.done @!p0 $0x0  }
0xf6: {  	[sflag:s0] =	ssyncadd.s32 @!p0 s1  }
0xf7: {  	[bflag:$0x3] =	sbarrier.arrive $0xFFFF  }
0xf8: {  	_ =	shalt  }

</sc_bundles>
